<compile_context>
chip_gen: v7x
topology: tpu7x:2x2x1
jax: 0.10.2.dev20260603
libtpu: 0.0.44.dev20260713+nightly
codegen_flags: <defaults>
</compile_context>

<pallas_src>
import functools

import jax
import jax.numpy as jnp
from jax import lax
from jax.experimental import pallas as pl
from jax.experimental.pallas import tpu as pltpu
from jax.experimental.pallas import tpu_sc as plsc

RES = (128, 128, 128)
NUM_CELLS = RES[0] * RES[1] * RES[2]
N_SAMPLES = 2097152

NC = 2
NS = 16
NW = NC * NS
PER_W = N_SAMPLES // NW
CHUNK = 8192
NCHUNK = PER_W // CHUNK
GROUPS = CHUNK // 16

PACK_ROWS = 264
PACK_COLS = 8192

_SIGN = -2147483648
_MANT = 2147483647


def _pack_body(occ_ref, bin_ref, out_ref):
    i = pl.program_id(0)

    @pl.when(i < 32)
    def _pack():
        bits = lax.bitcast_convert_type(occ_ref[...], jnp.int32)
        out_ref[...] = bits | jnp.where(
            bin_ref[...], jnp.int32(_SIGN), jnp.int32(0))

    @pl.when(i == 32)
    def _zero():
        out_ref[...] = jnp.zeros_like(out_ref)


def _pack_table(occ_grid, occ_grid_binary):
    occ2 = occ_grid.reshape(256, PACK_COLS)
    bin2 = occ_grid_binary.reshape(256, PACK_COLS)
    packed = pl.pallas_call(
        _pack_body,
        grid=(33,),
        in_specs=[
            pl.BlockSpec((8, PACK_COLS), lambda i: (jnp.minimum(i, 31), 0)),
            pl.BlockSpec((8, PACK_COLS), lambda i: (jnp.minimum(i, 31), 0)),
        ],
        out_specs=pl.BlockSpec((8, PACK_COLS), lambda i: (i, 0)),
        out_shape=jax.ShapeDtypeStruct((PACK_ROWS, PACK_COLS), jnp.int32),
    )(occ2, bin2)
    return packed.reshape(-1)


def _sc_body(xs_hbm, ys_hbm, zs_hbm, packed_hbm, consts_hbm, occ_out,
             bin_out,
             xs0, ys0, zs0, xs1, ys1, zs1, idx0, idx1, g0, g1, o0, o1,
             b0, b1, cbuf,
             sin0, sin1, sg0, sg1, so0, so1):
    wid = lax.axis_index("s") * NC + lax.axis_index("c")

    pltpu.sync_copy(consts_hbm, cbuf)
    minx = cbuf[0]
    miny = cbuf[1]
    minz = cbuf[2]
    sclx = cbuf[3]
    scly = cbuf[4]
    sclz = cbuf[5]

    xsb = (xs0, xs1)
    ysb = (ys0, ys1)
    zsb = (zs0, zs1)
    idxb = (idx0, idx1)
    gb = (g0, g1)
    ob = (o0, o1)
    bb = (b0, b1)
    sin = (sin0, sin1)
    sg = (sg0, sg1)
    so = (so0, so1)

    def issue_in(c):
        par = c % 2
        base = wid * PER_W + c * CHUNK
        return (
            pltpu.async_copy(xs_hbm.at[pl.ds(base, CHUNK)], xsb[par],
                             sin[par]),
            pltpu.async_copy(ys_hbm.at[pl.ds(base, CHUNK)], ysb[par],
                             sin[par]),
            pltpu.async_copy(zs_hbm.at[pl.ds(base, CHUNK)], zsb[par],
                             sin[par]),
        )

    def compute_idx(c):
        par = c % 2
        xsv, ysv, zsv, idxv = xsb[par], ysb[par], zsb[par], idxb[par]

        def _grp(g, _):
            s = pl.ds(g * 16, 16)
            tx = (xsv[s] - minx) * sclx
            ty = (ysv[s] - miny) * scly
            tz = (zsv[s] - minz) * sclz
            lo = jnp.minimum(jnp.minimum(tx, ty), tz)
            hi = jnp.maximum(jnp.maximum(tx, ty), tz)
            sel = (lo > 0.0) & (hi < 128.0)
            cx = tx.astype(jnp.int32)
            cy = ty.astype(jnp.int32)
            cz = tz.astype(jnp.int32)
            idx = cx * 16384 + cy * 128 + cz
            idxv[s] = jnp.where(sel, idx, jnp.int32(NUM_CELLS))
            return 0

        lax.fori_loop(0, GROUPS, _grp, 0)

    def unpack(c):
        par = c % 2
        gv, ov, bv = gb[par], ob[par], bb[par]

        def _grp(g, _):
            s = pl.ds(g * 16, 16)
            pv = gv[s]
            ov[s] = pv & jnp.int32(_MANT)
            bv[s] = lax.shift_right_logical(pv, 31)
            return 0

        lax.fori_loop(0, GROUPS, _grp, 0)

    def issue_out(c):
        par = c % 2
        base = wid * PER_W + c * CHUNK
        return (
            pltpu.async_copy(ob[par], occ_out.at[pl.ds(base, CHUNK)],
                             so[par]),
            pltpu.async_copy(bb[par], bin_out.at[pl.ds(base, CHUNK)],
                             so[par]),
        )

    pending_in = {0: issue_in(0)}
    pending_g = {}
    pending_out = {}

    for c in range(NCHUNK):
        if c + 1 < NCHUNK:
            pending_in[c + 1] = issue_in(c + 1)
        for h in pending_in.pop(c):
            h.wait()
        compute_idx(c)
        pending_g[c] = pltpu.async_copy(
            packed_hbm.at[idxb[c % 2]], gb[c % 2], sg[c % 2])
        if c - 1 >= 0:
            pending_g.pop(c - 1).wait()
            if c - 3 >= 0:
                for h in pending_out.pop(c - 3):
                    h.wait()
            unpack(c - 1)
            pending_out[c - 1] = issue_out(c - 1)

    last = NCHUNK - 1
    pending_g.pop(last).wait()
    if last - 2 >= 0:
        for h in pending_out.pop(last - 2):
            h.wait()
    unpack(last)
    pending_out[last] = issue_out(last)
    for c in sorted(pending_out):
        for h in pending_out[c]:
            h.wait()


_sc_gather = functools.partial(
    pl.kernel,
    mesh=plsc.VectorSubcoreMesh(core_axis_name="c", subcore_axis_name="s"),
    out_type=[
        jax.ShapeDtypeStruct((N_SAMPLES,), jnp.int32),
        jax.ShapeDtypeStruct((N_SAMPLES,), jnp.int32),
    ],
    scratch_types=[
        pltpu.VMEM((CHUNK,), jnp.float32),
        pltpu.VMEM((CHUNK,), jnp.float32),
        pltpu.VMEM((CHUNK,), jnp.float32),
        pltpu.VMEM((CHUNK,), jnp.float32),
        pltpu.VMEM((CHUNK,), jnp.float32),
        pltpu.VMEM((CHUNK,), jnp.float32),
        pltpu.VMEM((CHUNK,), jnp.int32),
        pltpu.VMEM((CHUNK,), jnp.int32),
        pltpu.VMEM((CHUNK,), jnp.int32),
        pltpu.VMEM((CHUNK,), jnp.int32),
        pltpu.VMEM((CHUNK,), jnp.int32),
        pltpu.VMEM((CHUNK,), jnp.int32),
        pltpu.VMEM((CHUNK,), jnp.int32),
        pltpu.VMEM((CHUNK,), jnp.int32),
        pltpu.VMEM((6, 16), jnp.float32),
        pltpu.SemaphoreType.DMA,
        pltpu.SemaphoreType.DMA,
        pltpu.SemaphoreType.DMA,
        pltpu.SemaphoreType.DMA,
        pltpu.SemaphoreType.DMA,
        pltpu.SemaphoreType.DMA,
    ],
)(_sc_body)


def kernel(x, occ_grid, occ_grid_binary, aabb):
    packed = _pack_table(occ_grid, occ_grid_binary)

    bb_min = aabb[:3]
    scl = jnp.float32(RES[0]) / (aabb[3:] - aabb[:3])
    consts = jnp.concatenate(
        [jnp.broadcast_to(bb_min[:, None], (3, 16)),
         jnp.broadcast_to(scl[:, None], (3, 16))], axis=0)

    xt = x.T
    occ_bits, occs_bin = _sc_gather(xt[0], xt[1], xt[2], packed, consts)
    occs = lax.bitcast_convert_type(occ_bits, jnp.float32)
    return occs, occs_bin.astype(jnp.bool_)

# --- scband reference (transcript-rebuilt; emitter-appended) ---
"""Pipeline reference for scband-occupancy-grid-18305150616108 (READ-ONLY COPY).

The authoritative reference and input builder live on the scoring server;
editing this copy changes nothing except your own understanding.
"""

import jax, jax.numpy as jnp
import numpy as np

RES = (128, 128, 128)
NUM_CELLS = RES[0] * RES[1] * RES[2]
N_SAMPLES = 2097152
OCC_THRE = 0.01


def setup_inputs(seed: int = 0) -> dict:
    key = jax.random.key(seed)
    k1, k2 = jax.random.split(key)
    x = jax.random.uniform(k1, (N_SAMPLES, 3), dtype=jnp.float32)
    occ_grid = jax.random.uniform(k2, (NUM_CELLS,), dtype=jnp.float32)
    # binarize: occ_grid > clamp(mean(occ_grid), max=occ_thre)
    occ_grid_binary = occ_grid > jnp.minimum(jnp.mean(occ_grid), OCC_THRE)
    aabb = jnp.array([0.0, 0.0, 0.0, 1.0, 1.0, 1.0], dtype=jnp.float32)
    return {"x": x, "occ_grid": occ_grid, "occ_grid_binary": occ_grid_binary, "aabb": aabb}


def reference(x, occ_grid, occ_grid_binary, aabb):
    # Faithful translation of OccupancyGrid.query_occ (num_dim=3, no contraction)
    res_f = jnp.array(RES, dtype=jnp.float32)
    bb_min = aabb[:3]
    bb_max = aabb[3:]
    xn = (x - bb_min) / (bb_max - bb_min)
    selector = jnp.all((xn > 0.0) & (xn < 1.0), axis=-1)
    grid_coords = jnp.floor(xn * res_f).astype(jnp.int32)
    grid_indices = (
        grid_coords[..., 0] * (RES[1] * RES[2])
        + grid_coords[..., 1] * RES[2]
        + grid_coords[..., 2]
    )
    grid_indices = jnp.clip(grid_indices, 0, NUM_CELLS - 1)
    gathered = jnp.take(occ_grid, grid_indices, axis=0)
    occs = jnp.where(selector, gathered, jnp.zeros_like(gathered))
    gathered_b = jnp.take(occ_grid_binary, grid_indices, axis=0)
    occs_binary = jnp.where(selector, gathered_b, jnp.zeros_like(gathered_b))
    return (occs, occs_binary)

if __name__ == "__main__":
    import jax
    _d = setup_inputs()
    print(jax.jit(kernel)(*tuple(_d.values())))

</pallas_src>

<mosaic_0001>
#map = affine_map<(d0, d1) -> (0)>
#map1 = affine_map<(d0, d1) -> (0, 0)>
module attributes {stable_mosaic.version = 14 : i64} {
  func.func @_sc_body(%arg0: i32, %arg1: i32, %arg2: memref<2097152xf32, #tpu.memory_space<hbm>>, %arg3: memref<2097152xf32, #tpu.memory_space<hbm>>, %arg4: memref<2097152xf32, #tpu.memory_space<hbm>>, %arg5: memref<2162688xi32, #tpu.memory_space<hbm>>, %arg6: memref<6x16xf32, #tpu.memory_space<hbm>>, %arg7: memref<2097152xi32, #tpu.memory_space<hbm>>, %arg8: memref<2097152xi32, #tpu.memory_space<hbm>>, %arg9: memref<8192xf32, #tpu.memory_space<vmem>>, %arg10: memref<8192xf32, #tpu.memory_space<vmem>>, %arg11: memref<8192xf32, #tpu.memory_space<vmem>>, %arg12: memref<8192xf32, #tpu.memory_space<vmem>>, %arg13: memref<8192xf32, #tpu.memory_space<vmem>>, %arg14: memref<8192xf32, #tpu.memory_space<vmem>>, %arg15: memref<8192xi32, #tpu.memory_space<vmem>>, %arg16: memref<8192xi32, #tpu.memory_space<vmem>>, %arg17: memref<8192xi32, #tpu.memory_space<vmem>>, %arg18: memref<8192xi32, #tpu.memory_space<vmem>>, %arg19: memref<8192xi32, #tpu.memory_space<vmem>>, %arg20: memref<8192xi32, #tpu.memory_space<vmem>>, %arg21: memref<8192xi32, #tpu.memory_space<vmem>>, %arg22: memref<8192xi32, #tpu.memory_space<vmem>>, %arg23: memref<6x16xf32, #tpu.memory_space<vmem>>, %arg24: memref<!tpu.dma_semaphore, #tpu.memory_space<semaphore_mem>>, %arg25: memref<!tpu.dma_semaphore, #tpu.memory_space<semaphore_mem>>, %arg26: memref<!tpu.dma_semaphore, #tpu.memory_space<semaphore_mem>>, %arg27: memref<!tpu.dma_semaphore, #tpu.memory_space<semaphore_mem>>, %arg28: memref<!tpu.dma_semaphore, #tpu.memory_space<semaphore_mem>>, %arg29: memref<!tpu.dma_semaphore, #tpu.memory_space<semaphore_mem>>) attributes {dimension_semantics = [#tpu.dimension_semantics<core_parallel>, #tpu.dimension_semantics<subcore_parallel>], iteration_bounds = array<i64: 2, 16>, scalar_prefetch = 0 : i64, scratch_operands = 21 : i64, tpu.core_type = #tpu.core_type<sc_vector_subcore>, window_params = [{transform_indices = #map}, {transform_indices = #map}, {transform_indices = #map}, {transform_indices = #map}, {transform_indices = #map1}, {transform_indices = #map}, {transform_indices = #map}]} {
    %mul3A = arith.constant 2 : i32
    %mul3A_0 = arith.muli %arg1, %mul3A : i32
    %add3A = arith.addi %mul3A_0, %arg0 : i32
    "tpu.region"() ({
      %run_scoped3A = tpu.sem_alloc : memref<!tpu.dma_semaphore, #tpu.memory_space<semaphore_mem>>
      tpu.enqueue_dma source(%arg6 : memref<6x16xf32, #tpu.memory_space<hbm>>) target(%arg23 : memref<6x16xf32, #tpu.memory_space<vmem>>) target_semaphore(%run_scoped3A : memref<!tpu.dma_semaphore, #tpu.memory_space<semaphore_mem>>)
      tpu.wait_dma2 semaphore(%run_scoped3A : memref<!tpu.dma_semaphore, #tpu.memory_space<semaphore_mem>>) src(%arg6 : memref<6x16xf32, #tpu.memory_space<hbm>>) dst(%arg23 : memref<6x16xf32, #tpu.memory_space<vmem>>)
      tpu.yield
    }) : () -> ()
    %get3A = arith.constant 0 : i32
    %get3A_1 = arith.index_cast %get3A : i32 to index
    %get3A_2 = arith.constant 0 : index
    %get3A_3 = tpu.vector_load %arg23[%get3A_1, %get3A_2] {strides = array<i32>} : memref<6x16xf32, #tpu.memory_space<vmem>>, vector<1x16xf32>,
    %get3A_4 = vector.shape_cast %get3A_3 : vector<1x16xf32> to vector<16xf32>
    %get3A_5 = arith.constant 1 : i32
    %get3A_6 = arith.index_cast %get3A_5 : i32 to index
    %get3A_7 = arith.constant 0 : index
    %get3A_8 = tpu.vector_load %arg23[%get3A_6, %get3A_7] {strides = array<i32>} : memref<6x16xf32, #tpu.memory_space<vmem>>, vector<1x16xf32>,
    %get3A_9 = vector.shape_cast %get3A_8 : vector<1x16xf32> to vector<16xf32>
    %get3A_10 = arith.constant 2 : i32
    %get3A_11 = arith.index_cast %get3A_10 : i32 to index
    %get3A_12 = arith.constant 0 : index
    %get3A_13 = tpu.vector_load %arg23[%get3A_11, %get3A_12] {strides = array<i32>} : memref<6x16xf32, #tpu.memory_space<vmem>>, vector<1x16xf32>,
    %get3A_14 = vector.shape_cast %get3A_13 : vector<1x16xf32> to vector<16xf32>
    %get3A_15 = arith.constant 3 : i32
    %get3A_16 = arith.index_cast %get3A_15 : i32 to index
    %get3A_17 = arith.constant 0 : index
    %get3A_18 = tpu.vector_load %arg23[%get3A_16, %get3A_17] {strides = array<i32>} : memref<6x16xf32, #tpu.memory_space<vmem>>, vector<1x16xf32>,
    %get3A_19 = vector.shape_cast %get3A_18 : vector<1x16xf32> to vector<16xf32>
    %get3A_20 = arith.constant 4 : i32
    %get3A_21 = arith.index_cast %get3A_20 : i32 to index
    %get3A_22 = arith.constant 0 : index
    %get3A_23 = tpu.vector_load %arg23[%get3A_21, %get3A_22] {strides = array<i32>} : memref<6x16xf32, #tpu.memory_space<vmem>>, vector<1x16xf32>,
    %get3A_24 = vector.shape_cast %get3A_23 : vector<1x16xf32> to vector<16xf32>
    %get3A_25 = arith.constant 5 : i32
    %get3A_26 = arith.index_cast %get3A_25 : i32 to index
    %get3A_27 = arith.constant 0 : index
    %get3A_28 = tpu.vector_load %arg23[%get3A_26, %get3A_27] {strides = array<i32>} : memref<6x16xf32, #tpu.memory_space<vmem>>, vector<1x16xf32>,
    %get3A_29 = vector.shape_cast %get3A_28 : vector<1x16xf32> to vector<16xf32>
    %mul3A_30 = arith.constant 65536 : i32
    %mul3A_31 = arith.muli %add3A, %mul3A_30 : i32
    %add3A_32 = arith.constant 0 : i32
    %add3A_33 = arith.addi %mul3A_31, %add3A_32 : i32
    %dma_start3A = tpu.memref_slice %arg2[%add3A_33] : memref<2097152xf32, #tpu.memory_space<hbm>> -> memref<8192xf32, #tpu.memory_space<hbm>>
    %dma_start3A_34 = tpu.memref_slice %arg2[%add3A_33] : memref<2097152xf32, #tpu.memory_space<hbm>> -> memref<8192xf32, #tpu.memory_space<hbm>>
    tpu.enqueue_dma source(%dma_start3A_34 : memref<8192xf32, #tpu.memory_space<hbm>>) target(%arg9 : memref<8192xf32, #tpu.memory_space<vmem>>) target_semaphore(%arg24 : memref<!tpu.dma_semaphore, #tpu.memory_space<semaphore_mem>>)
    %dma_start3A_35 = tpu.memref_slice %arg3[%add3A_33] : memref<2097152xf32, #tpu.memory_space<hbm>> -> memref<8192xf32, #tpu.memory_space<hbm>>
    %dma_start3A_36 = tpu.memref_slice %arg3[%add3A_33] : memref<2097152xf32, #tpu.memory_space<hbm>> -> memref<8192xf32, #tpu.memory_space<hbm>>
    tpu.enqueue_dma source(%dma_start3A_36 : memref<8192xf32, #tpu.memory_space<hbm>>) target(%arg10 : memref<8192xf32, #tpu.memory_space<vmem>>) target_semaphore(%arg24 : memref<!tpu.dma_semaphore, #tpu.memory_space<semaphore_mem>>)
    %dma_start3A_37 = tpu.memref_slice %arg4[%add3A_33] : memref<2097152xf32, #tpu.memory_space<hbm>> -> memref<8192xf32, #tpu.memory_space<hbm>>
    %dma_start3A_38 = tpu.memref_slice %arg4[%add3A_33] : memref<2097152xf32, #tpu.memory_space<hbm>> -> memref<8192xf32, #tpu.memory_space<hbm>>
    tpu.enqueue_dma source(%dma_start3A_38 : memref<8192xf32, #tpu.memory_space<hbm>>) target(%arg11 : memref<8192xf32, #tpu.memory_space<vmem>>) target_semaphore(%arg24 : memref<!tpu.dma_semaphore, #tpu.memory_space<semaphore_mem>>)
    %mul3A_39 = arith.constant 65536 : i32
    %mul3A_40 = arith.muli %add3A, %mul3A_39 : i32
    %add3A_41 = arith.constant 8192 : i32
    %add3A_42 = arith.addi %mul3A_40, %add3A_41 : i32
    %dma_start3A_43 = tpu.memref_slice %arg2[%add3A_42] : memref<2097152xf32, #tpu.memory_space<hbm>> -> memref<8192xf32, #tpu.memory_space<hbm>>
    %dma_start3A_44 = tpu.memref_slice %arg2[%add3A_42] : memref<2097152xf32, #tpu.memory_space<hbm>> -> memref<8192xf32, #tpu.memory_space<hbm>>
    tpu.enqueue_dma source(%dma_start3A_44 : memref<8192xf32, #tpu.memory_space<hbm>>) target(%arg12 : memref<8192xf32, #tpu.memory_space<vmem>>) target_semaphore(%arg25 : memref<!tpu.dma_semaphore, #tpu.memory_space<semaphore_mem>>)
    %dma_start3A_45 = tpu.memref_slice %arg3[%add3A_42] : memref<2097152xf32, #tpu.memory_space<hbm>> -> memref<8192xf32, #tpu.memory_space<hbm>>
    %dma_start3A_46 = tpu.memref_slice %arg3[%add3A_42] : memref<2097152xf32, #tpu.memory_space<hbm>> -> memref<8192xf32, #tpu.memory_space<hbm>>
    tpu.enqueue_dma source(%dma_start3A_46 : memref<8192xf32, #tpu.memory_space<hbm>>) target(%arg13 : memref<8192xf32, #tpu.memory_space<vmem>>) target_semaphore(%arg25 : memref<!tpu.dma_semaphore, #tpu.memory_space<semaphore_mem>>)
    %dma_start3A_47 = tpu.memref_slice %arg4[%add3A_42] : memref<2097152xf32, #tpu.memory_space<hbm>> -> memref<8192xf32, #tpu.memory_space<hbm>>
    %dma_start3A_48 = tpu.memref_slice %arg4[%add3A_42] : memref<2097152xf32, #tpu.memory_space<hbm>> -> memref<8192xf32, #tpu.memory_space<hbm>>
    tpu.enqueue_dma source(%dma_start3A_48 : memref<8192xf32, #tpu.memory_space<hbm>>) target(%arg14 : memref<8192xf32, #tpu.memory_space<vmem>>) target_semaphore(%arg25 : memref<!tpu.dma_semaphore, #tpu.memory_space<semaphore_mem>>)
    %dma_wait3A = tpu.memref_slice %arg2[%add3A_33] : memref<2097152xf32, #tpu.memory_space<hbm>> -> memref<8192xf32, #tpu.memory_space<hbm>>
    %dma_wait3A_49 = tpu.memref_slice %arg2[%add3A_33] : memref<2097152xf32, #tpu.memory_space<hbm>> -> memref<8192xf32, #tpu.memory_space<hbm>>
    tpu.wait_dma2 semaphore(%arg24 : memref<!tpu.dma_semaphore, #tpu.memory_space<semaphore_mem>>) src(%dma_wait3A_49 : memref<8192xf32, #tpu.memory_space<hbm>>) dst(%arg9 : memref<8192xf32, #tpu.memory_space<vmem>>)
    %dma_wait3A_50 = tpu.memref_slice %arg3[%add3A_33] : memref<2097152xf32, #tpu.memory_space<hbm>> -> memref<8192xf32, #tpu.memory_space<hbm>>
    %dma_wait3A_51 = tpu.memref_slice %arg3[%add3A_33] : memref<2097152xf32, #tpu.memory_space<hbm>> -> memref<8192xf32, #tpu.memory_space<hbm>>
    tpu.wait_dma2 semaphore(%arg24 : memref<!tpu.dma_semaphore, #tpu.memory_space<semaphore_mem>>) src(%dma_wait3A_51 : memref<8192xf32, #tpu.memory_space<hbm>>) dst(%arg10 : memref<8192xf32, #tpu.memory_space<vmem>>)
    %dma_wait3A_52 = tpu.memref_slice %arg4[%add3A_33] : memref<2097152xf32, #tpu.memory_space<hbm>> -> memref<8192xf32, #tpu.memory_space<hbm>>
    %dma_wait3A_53 = tpu.memref_slice %arg4[%add3A_33] : memref<2097152xf32, #tpu.memory_space<hbm>> -> memref<8192xf32, #tpu.memory_space<hbm>>
    tpu.wait_dma2 semaphore(%arg24 : memref<!tpu.dma_semaphore, #tpu.memory_space<semaphore_mem>>) src(%dma_wait3A_53 : memref<8192xf32, #tpu.memory_space<hbm>>) dst(%arg11 : memref<8192xf32, #tpu.memory_space<vmem>>)
    %scan3A = arith.constant 0 : i32
    %scan3A_54 = arith.constant 0 : i32
    %scan3A_55 = arith.constant 512 : i32
    %scan3A_56 = arith.addi %scan3A_54, %scan3A_55 : i32
    %scan3A_57 = arith.constant 1 : i32
    %scan3A_58 = scf.for %scan3A_395 = %scan3A_54 to %scan3A_56 step %scan3A_57 iter_args(%scan3A_396 = %scan3A) -> (i32)  : i32 {
      %mul3A_397 = arith.constant 16 : i32
      %mul3A_398 = arith.muli %scan3A_395, %mul3A_397 : i32
      %get3A_399 = arith.index_cast %mul3A_398 : i32 to index
      %get3A_400 = tpu.vector_load %arg9[%get3A_399] {strides = array<i32>} : memref<8192xf32, #tpu.memory_space<vmem>>, vector<16xf32>,
      %get3A_401 = vector.shape_cast %get3A_400 : vector<16xf32> to vector<16xf32>
      %sub3A = arith.subf %get3A_401, %get3A_4 : vector<16xf32>
      %mul3A_402 = arith.mulf %sub3A, %get3A_19 : vector<16xf32>
      %get3A_403 = arith.index_cast %mul3A_398 : i32 to index
      %get3A_404 = tpu.vector_load %arg10[%get3A_403] {strides = array<i32>} : memref<8192xf32, #tpu.memory_space<vmem>>, vector<16xf32>,
      %get3A_405 = vector.shape_cast %get3A_404 : vector<16xf32> to vector<16xf32>
      %sub3A_406 = arith.subf %get3A_405, %get3A_9 : vector<16xf32>
      %mul3A_407 = arith.mulf %sub3A_406, %get3A_24 : vector<16xf32>
      %get3A_408 = arith.index_cast %mul3A_398 : i32 to index
      %get3A_409 = tpu.vector_load %arg11[%get3A_408] {strides = array<i32>} : memref<8192xf32, #tpu.memory_space<vmem>>, vector<16xf32>,
      %get3A_410 = vector.shape_cast %get3A_409 : vector<16xf32> to vector<16xf32>
      %sub3A_411 = arith.subf %get3A_410, %get3A_14 : vector<16xf32>
      %mul3A_412 = arith.mulf %sub3A_411, %get3A_29 : vector<16xf32>
      %min3A = arith.minimumf %mul3A_402, %mul3A_407 : vector<16xf32>
      %min3A_413 = arith.minimumf %min3A, %mul3A_412 : vector<16xf32>
      %max3A = arith.maximumf %mul3A_402, %mul3A_407 : vector<16xf32>
      %max3A_414 = arith.maximumf %max3A, %mul3A_412 : vector<16xf32>
      %gt3A = arith.constant 0.000000e+00 : f32
      %gt3A_415 = vector.broadcast %gt3A : f32 to vector<16xf32>
      %gt3A_416 = arith.cmpf ogt, %min3A_413, %gt3A_415 : vector<16xf32>
      %lt3A = arith.constant 1.280000e+02 : f32
      %lt3A_417 = vector.broadcast %lt3A : f32 to vector<16xf32>
      %lt3A_418 = arith.cmpf olt, %max3A_414, %lt3A_417 : vector<16xf32>
      %and3A = arith.andi %gt3A_416, %lt3A_418 : vector<16xi1>
      %convert_element_type3A = arith.fptosi %mul3A_402 : vector<16xf32> to vector<16xi32>
      %convert_element_type3A_419 = arith.fptosi %mul3A_407 : vector<16xf32> to vector<16xi32>
      %convert_element_type3A_420 = arith.fptosi %mul3A_412 : vector<16xf32> to vector<16xi32>
      %mul3A_421 = arith.constant 16384 : i32
      %mul3A_422 = vector.broadcast %mul3A_421 : i32 to vector<16xi32>
      %mul3A_423 = arith.muli %convert_element_type3A, %mul3A_422 : vector<16xi32>
      %mul3A_424 = arith.constant 128 : i32
      %mul3A_425 = vector.broadcast %mul3A_424 : i32 to vector<16xi32>
      %mul3A_426 = arith.muli %convert_element_type3A_419, %mul3A_425 : vector<16xi32>
      %add3A_427 = arith.addi %mul3A_423, %mul3A_426 : vector<16xi32>
      %add3A_428 = arith.addi %add3A_427, %convert_element_type3A_420 : vector<16xi32>
      %jit3A = arith.constant 2097152 : i32
      %broadcast_in_dim3A = vector.broadcast %jit3A : i32 to vector<16xi32>
      %select_n3A = arith.select %and3A, %add3A_428, %broadcast_in_dim3A : vector<16xi1>, vector<16xi32>
      %swap3A = arith.index_cast %mul3A_398 : i32 to index
      %swap3A_429 = tpu.vector_load %arg15[%swap3A] {strides = array<i32>} : memref<8192xi32, #tpu.memory_space<vmem>>, vector<16xi32>,
      %swap3A_430 = vector.shape_cast %swap3A_429 : vector<16xi32> to vector<16xi32>
      %swap3A_431 = vector.shape_cast %select_n3A : vector<16xi32> to vector<16xi32>
      tpu.vector_store %arg15[%swap3A], %swap3A_431 {strides = array<i32>} : memref<8192xi32, #tpu.memory_space<vmem>>, vector<16xi32>,
      %scan3A_432 = arith.constant 0 : i32
      scf.yield %scan3A_432 : i32
    }
    %scan3A_59 = arith.constant 512 : i32
    %dma_start3A_60 = arith.constant 0 : i32
    %dma_start3A_61 = tpu.memref_slice %arg5[%dma_start3A_60] : memref<2162688xi32, #tpu.memory_space<hbm>> -> memref<2162688xi32, #tpu.memory_space<hbm>>
    tpu.enqueue_indirect_dma source(%dma_start3A_61 : memref<2162688xi32, #tpu.memory_space<hbm>>) target(%arg17 : memref<8192xi32, #tpu.memory_space<vmem>>) offsets(%arg15 : memref<8192xi32, #tpu.memory_space<vmem>>) semaphore(%arg26 : memref<!tpu.dma_semaphore, #tpu.memory_space<semaphore_mem>>)
    %mul3A_62 = arith.constant 65536 : i32
    %mul3A_63 = arith.muli %add3A, %mul3A_62 : i32
    %add3A_64 = arith.constant 16384 : i32
    %add3A_65 = arith.addi %mul3A_63, %add3A_64 : i32
    %dma_start3A_66 = tpu.memref_slice %arg2[%add3A_65] : memref<2097152xf32, #tpu.memory_space<hbm>> -> memref<8192xf32, #tpu.memory_space<hbm>>
    %dma_start3A_67 = tpu.memref_slice %arg2[%add3A_65] : memref<2097152xf32, #tpu.memory_space<hbm>> -> memref<8192xf32, #tpu.memory_space<hbm>>
    tpu.enqueue_dma source(%dma_start3A_67 : memref<8192xf32, #tpu.memory_space<hbm>>) target(%arg9 : memref<8192xf32, #tpu.memory_space<vmem>>) target_semaphore(%arg24 : memref<!tpu.dma_semaphore, #tpu.memory_space<semaphore_mem>>)
    %dma_start3A_68 = tpu.memref_slice %arg3[%add3A_65] : memref<2097152xf32, #tpu.memory_space<hbm>> -> memref<8192xf32, #tpu.memory_space<hbm>>
    %dma_start3A_69 = tpu.memref_slice %arg3[%add3A_65] : memref<2097152xf32, #tpu.memory_space<hbm>> -> memref<8192xf32, #tpu.memory_space<hbm>>
    tpu.enqueue_dma source(%dma_start3A_69 : memref<8192xf32, #tpu.memory_space<hbm>>) target(%arg10 : memref<8192xf32, #tpu.memory_space<vmem>>) target_semaphore(%arg24 : memref<!tpu.dma_semaphore, #tpu.memory_space<semaphore_mem>>)
    %dma_start3A_70 = tpu.memref_slice %arg4[%add3A_65] : memref<2097152xf32, #tpu.memory_space<hbm>> -> memref<8192xf32, #tpu.memory_space<hbm>>
    %dma_start3A_71 = tpu.memref_slice %arg4[%add3A_65] : memref<2097152xf32, #tpu.memory_space<hbm>> -> memref<8192xf32, #tpu.memory_space<hbm>>
    tpu.enqueue_dma source(%dma_start3A_71 : memref<8192xf32, #tpu.memory_space<hbm>>) target(%arg11 : memref<8192xf32, #tpu.memory_space<vmem>>) target_semaphore(%arg24 : memref<!tpu.dma_semaphore, #tpu.memory_space<semaphore_mem>>)
    %dma_wait3A_72 = tpu.memref_slice %arg2[%add3A_42] : memref<2097152xf32, #tpu.memory_space<hbm>> -> memref<8192xf32, #tpu.memory_space<hbm>>
    %dma_wait3A_73 = tpu.memref_slice %arg2[%add3A_42] : memref<2097152xf32, #tpu.memory_space<hbm>> -> memref<8192xf32, #tpu.memory_space<hbm>>
    tpu.wait_dma2 semaphore(%arg25 : memref<!tpu.dma_semaphore, #tpu.memory_space<semaphore_mem>>) src(%dma_wait3A_73 : memref<8192xf32, #tpu.memory_space<hbm>>) dst(%arg12 : memref<8192xf32, #tpu.memory_space<vmem>>)
    %dma_wait3A_74 = tpu.memref_slice %arg3[%add3A_42] : memref<2097152xf32, #tpu.memory_space<hbm>> -> memref<8192xf32, #tpu.memory_space<hbm>>
    %dma_wait3A_75 = tpu.memref_slice %arg3[%add3A_42] : memref<2097152xf32, #tpu.memory_space<hbm>> -> memref<8192xf32, #tpu.memory_space<hbm>>
    tpu.wait_dma2 semaphore(%arg25 : memref<!tpu.dma_semaphore, #tpu.memory_space<semaphore_mem>>) src(%dma_wait3A_75 : memref<8192xf32, #tpu.memory_space<hbm>>) dst(%arg13 : memref<8192xf32, #tpu.memory_space<vmem>>)
    %dma_wait3A_76 = tpu.memref_slice %arg4[%add3A_42] : memref<2097152xf32, #tpu.memory_space<hbm>> -> memref<8192xf32, #tpu.memory_space<hbm>>
    %dma_wait3A_77 = tpu.memref_slice %arg4[%add3A_42] : memref<2097152xf32, #tpu.memory_space<hbm>> -> memref<8192xf32, #tpu.memory_space<hbm>>
    tpu.wait_dma2 semaphore(%arg25 : memref<!tpu.dma_semaphore, #tpu.memory_space<semaphore_mem>>) src(%dma_wait3A_77 : memref<8192xf32, #tpu.memory_space<hbm>>) dst(%arg14 : memref<8192xf32, #tpu.memory_space<vmem>>)
    %scan3A_78 = arith.constant 0 : i32
    %scan3A_79 = arith.constant 0 : i32
    %scan3A_80 = arith.constant 512 : i32
    %scan3A_81 = arith.addi %scan3A_79, %scan3A_80 : i32
    %scan3A_82 = arith.constant 1 : i32
    %scan3A_83 = scf.for %scan3A_395 = %scan3A_79 to %scan3A_81 step %scan3A_82 iter_args(%scan3A_396 = %scan3A_78) -> (i32)  : i32 {
      %mul3A_397 = arith.constant 16 : i32
      %mul3A_398 = arith.muli %scan3A_395, %mul3A_397 : i32
      %get3A_399 = arith.index_cast %mul3A_398 : i32 to index
      %get3A_400 = tpu.vector_load %arg12[%get3A_399] {strides = array<i32>} : memref<8192xf32, #tpu.memory_space<vmem>>, vector<16xf32>,
      %get3A_401 = vector.shape_cast %get3A_400 : vector<16xf32> to vector<16xf32>
      %sub3A = arith.subf %get3A_401, %get3A_4 : vector<16xf32>
      %mul3A_402 = arith.mulf %sub3A, %get3A_19 : vector<16xf32>
      %get3A_403 = arith.index_cast %mul3A_398 : i32 to index
      %get3A_404 = tpu.vector_load %arg13[%get3A_403] {strides = array<i32>} : memref<8192xf32, #tpu.memory_space<vmem>>, vector<16xf32>,
      %get3A_405 = vector.shape_cast %get3A_404 : vector<16xf32> to vector<16xf32>
      %sub3A_406 = arith.subf %get3A_405, %get3A_9 : vector<16xf32>
      %mul3A_407 = arith.mulf %sub3A_406, %get3A_24 : vector<16xf32>
      %get3A_408 = arith.index_cast %mul3A_398 : i32 to index
      %get3A_409 = tpu.vector_load %arg14[%get3A_408] {strides = array<i32>} : memref<8192xf32, #tpu.memory_space<vmem>>, vector<16xf32>,
      %get3A_410 = vector.shape_cast %get3A_409 : vector<16xf32> to vector<16xf32>
      %sub3A_411 = arith.subf %get3A_410, %get3A_14 : vector<16xf32>
      %mul3A_412 = arith.mulf %sub3A_411, %get3A_29 : vector<16xf32>
      %min3A = arith.minimumf %mul3A_402, %mul3A_407 : vector<16xf32>
      %min3A_413 = arith.minimumf %min3A, %mul3A_412 : vector<16xf32>
      %max3A = arith.maximumf %mul3A_402, %mul3A_407 : vector<16xf32>
      %max3A_414 = arith.maximumf %max3A, %mul3A_412 : vector<16xf32>
      %gt3A = arith.constant 0.000000e+00 : f32
      %gt3A_415 = vector.broadcast %gt3A : f32 to vector<16xf32>
      %gt3A_416 = arith.cmpf ogt, %min3A_413, %gt3A_415 : vector<16xf32>
      %lt3A = arith.constant 1.280000e+02 : f32
      %lt3A_417 = vector.broadcast %lt3A : f32 to vector<16xf32>
      %lt3A_418 = arith.cmpf olt, %max3A_414, %lt3A_417 : vector<16xf32>
      %and3A = arith.andi %gt3A_416, %lt3A_418 : vector<16xi1>
      %convert_element_type3A = arith.fptosi %mul3A_402 : vector<16xf32> to vector<16xi32>
      %convert_element_type3A_419 = arith.fptosi %mul3A_407 : vector<16xf32> to vector<16xi32>
      %convert_element_type3A_420 = arith.fptosi %mul3A_412 : vector<16xf32> to vector<16xi32>
      %mul3A_421 = arith.constant 16384 : i32
      %mul3A_422 = vector.broadcast %mul3A_421 : i32 to vector<16xi32>
      %mul3A_423 = arith.muli %convert_element_type3A, %mul3A_422 : vector<16xi32>
      %mul3A_424 = arith.constant 128 : i32
      %mul3A_425 = vector.broadcast %mul3A_424 : i32 to vector<16xi32>
      %mul3A_426 = arith.muli %convert_element_type3A_419, %mul3A_425 : vector<16xi32>
      %add3A_427 = arith.addi %mul3A_423, %mul3A_426 : vector<16xi32>
      %add3A_428 = arith.addi %add3A_427, %convert_element_type3A_420 : vector<16xi32>
      %jit3A = arith.constant 2097152 : i32
      %broadcast_in_dim3A = vector.broadcast %jit3A : i32 to vector<16xi32>
      %select_n3A = arith.select %and3A, %add3A_428, %broadcast_in_dim3A : vector<16xi1>, vector<16xi32>
      %swap3A = arith.index_cast %mul3A_398 : i32 to index
      %swap3A_429 = tpu.vector_load %arg16[%swap3A] {strides = array<i32>} : memref<8192xi32, #tpu.memory_space<vmem>>, vector<16xi32>,
      %swap3A_430 = vector.shape_cast %swap3A_429 : vector<16xi32> to vector<16xi32>
      %swap3A_431 = vector.shape_cast %select_n3A : vector<16xi32> to vector<16xi32>
      tpu.vector_store %arg16[%swap3A], %swap3A_431 {strides = array<i32>} : memref<8192xi32, #tpu.memory_space<vmem>>, vector<16xi32>,
      %scan3A_432 = arith.constant 0 : i32
      scf.yield %scan3A_432 : i32
    }
    %scan3A_84 = arith.constant 512 : i32
    %dma_start3A_85 = arith.constant 0 : i32
    %dma_start3A_86 = tpu.memref_slice %arg5[%dma_start3A_85] : memref<2162688xi32, #tpu.memory_space<hbm>> -> memref<2162688xi32, #tpu.memory_space<hbm>>
    tpu.enqueue_indirect_dma source(%dma_start3A_86 : memref<2162688xi32, #tpu.memory_space<hbm>>) target(%arg18 : memref<8192xi32, #tpu.memory_space<vmem>>) offsets(%arg16 : memref<8192xi32, #tpu.memory_space<vmem>>) semaphore(%arg27 : memref<!tpu.dma_semaphore, #tpu.memory_space<semaphore_mem>>)
    %dma_wait3A_87 = arith.constant 0 : i32
    %dma_wait3A_88 = tpu.memref_slice %arg5[%dma_wait3A_87] : memref<2162688xi32, #tpu.memory_space<hbm>> -> memref<2162688xi32, #tpu.memory_space<hbm>>
    tpu.wait_indirect_dma semaphore(%arg26 : memref<!tpu.dma_semaphore, #tpu.memory_space<semaphore_mem>>) src(%dma_wait3A_88 : memref<2162688xi32, #tpu.memory_space<hbm>>) dst(%arg17 : memref<8192xi32, #tpu.memory_space<vmem>>)
    %scan3A_89 = arith.constant 0 : i32
    %scan3A_90 = arith.constant 0 : i32
    %scan3A_91 = arith.constant 512 : i32
    %scan3A_92 = arith.addi %scan3A_90, %scan3A_91 : i32
    %scan3A_93 = arith.constant 1 : i32
    %scan3A_94 = scf.for %scan3A_395 = %scan3A_90 to %scan3A_92 step %scan3A_93 iter_args(%scan3A_396 = %scan3A_89) -> (i32)  : i32 {
      %mul3A_397 = arith.constant 16 : i32
      %mul3A_398 = arith.muli %scan3A_395, %mul3A_397 : i32
      %get3A_399 = arith.index_cast %mul3A_398 : i32 to index
      %get3A_400 = tpu.vector_load %arg17[%get3A_399] {strides = array<i32>} : memref<8192xi32, #tpu.memory_space<vmem>>, vector<16xi32>,
      %get3A_401 = vector.shape_cast %get3A_400 : vector<16xi32> to vector<16xi32>
      %and3A = arith.constant 2147483647 : i32
      %and3A_402 = vector.broadcast %and3A : i32 to vector<16xi32>
      %and3A_403 = arith.andi %get3A_401, %and3A_402 : vector<16xi32>
      %swap3A = arith.index_cast %mul3A_398 : i32 to index
      %swap3A_404 = tpu.vector_load %arg19[%swap3A] {strides = array<i32>} : memref<8192xi32, #tpu.memory_space<vmem>>, vector<16xi32>,
      %swap3A_405 = vector.shape_cast %swap3A_404 : vector<16xi32> to vector<16xi32>
      %swap3A_406 = vector.shape_cast %and3A_403 : vector<16xi32> to vector<16xi32>
      tpu.vector_store %arg19[%swap3A], %swap3A_406 {strides = array<i32>} : memref<8192xi32, #tpu.memory_space<vmem>>, vector<16xi32>,
      %shift_right_logical3A = arith.constant 31 : i32
      %shift_right_logical3A_407 = vector.broadcast %shift_right_logical3A : i32 to vector<16xi32>
      %shift_right_logical3A_408 = arith.shrui %get3A_401, %shift_right_logical3A_407 : vector<16xi32>
      %swap3A_409 = arith.index_cast %mul3A_398 : i32 to index
      %swap3A_410 = tpu.vector_load %arg21[%swap3A_409] {strides = array<i32>} : memref<8192xi32, #tpu.memory_space<vmem>>, vector<16xi32>,
      %swap3A_411 = vector.shape_cast %swap3A_410 : vector<16xi32> to vector<16xi32>
      %swap3A_412 = vector.shape_cast %shift_right_logical3A_408 : vector<16xi32> to vector<16xi32>
      tpu.vector_store %arg21[%swap3A_409], %swap3A_412 {strides = array<i32>} : memref<8192xi32, #tpu.memory_space<vmem>>, vector<16xi32>,
      %scan3A_413 = arith.constant 0 : i32
      scf.yield %scan3A_413 : i32
    }
    %scan3A_95 = arith.constant 512 : i32
    %mul3A_96 = arith.constant 65536 : i32
    %mul3A_97 = arith.muli %add3A, %mul3A_96 : i32
    %add3A_98 = arith.constant 0 : i32
    %add3A_99 = arith.addi %mul3A_97, %add3A_98 : i32
    %dma_start3A_100 = tpu.memref_slice %arg7[%add3A_99] : memref<2097152xi32, #tpu.memory_space<hbm>> -> memref<8192xi32, #tpu.memory_space<hbm>>
    %dma_start3A_101 = tpu.memref_slice %arg7[%add3A_99] : memref<2097152xi32, #tpu.memory_space<hbm>> -> memref<8192xi32, #tpu.memory_space<hbm>>
    tpu.enqueue_dma source(%arg19 : memref<8192xi32, #tpu.memory_space<vmem>>) target(%dma_start3A_101 : memref<8192xi32, #tpu.memory_space<hbm>>) target_semaphore(%arg28 : memref<!tpu.dma_semaphore, #tpu.memory_space<semaphore_mem>>)
    %dma_start3A_102 = tpu.memref_slice %arg8[%add3A_99] : memref<2097152xi32, #tpu.memory_space<hbm>> -> memref<8192xi32, #tpu.memory_space<hbm>>
    %dma_start3A_103 = tpu.memref_slice %arg8[%add3A_99] : memref<2097152xi32, #tpu.memory_space<hbm>> -> memref<8192xi32, #tpu.memory_space<hbm>>
    tpu.enqueue_dma source(%arg21 : memref<8192xi32, #tpu.memory_space<vmem>>) target(%dma_start3A_103 : memref<8192xi32, #tpu.memory_space<hbm>>) target_semaphore(%arg28 : memref<!tpu.dma_semaphore, #tpu.memory_space<semaphore_mem>>)
    %mul3A_104 = arith.constant 65536 : i32
    %mul3A_105 = arith.muli %add3A, %mul3A_104 : i32
    %add3A_106 = arith.constant 24576 : i32
    %add3A_107 = arith.addi %mul3A_105, %add3A_106 : i32
    %dma_start3A_108 = tpu.memref_slice %arg2[%add3A_107] : memref<2097152xf32, #tpu.memory_space<hbm>> -> memref<8192xf32, #tpu.memory_space<hbm>>
    %dma_start3A_109 = tpu.memref_slice %arg2[%add3A_107] : memref<2097152xf32, #tpu.memory_space<hbm>> -> memref<8192xf32, #tpu.memory_space<hbm>>
    tpu.enqueue_dma source(%dma_start3A_109 : memref<8192xf32, #tpu.memory_space<hbm>>) target(%arg12 : memref<8192xf32, #tpu.memory_space<vmem>>) target_semaphore(%arg25 : memref<!tpu.dma_semaphore, #tpu.memory_space<semaphore_mem>>)
    %dma_start3A_110 = tpu.memref_slice %arg3[%add3A_107] : memref<2097152xf32, #tpu.memory_space<hbm>> -> memref<8192xf32, #tpu.memory_space<hbm>>
    %dma_start3A_111 = tpu.memref_slice %arg3[%add3A_107] : memref<2097152xf32, #tpu.memory_space<hbm>> -> memref<8192xf32, #tpu.memory_space<hbm>>
    tpu.enqueue_dma source(%dma_start3A_111 : memref<8192xf32, #tpu.memory_space<hbm>>) target(%arg13 : memref<8192xf32, #tpu.memory_space<vmem>>) target_semaphore(%arg25 : memref<!tpu.dma_semaphore, #tpu.memory_space<semaphore_mem>>)
    %dma_start3A_112 = tpu.memref_slice %arg4[%add3A_107] : memref<2097152xf32, #tpu.memory_space<hbm>> -> memref<8192xf32, #tpu.memory_space<hbm>>
    %dma_start3A_113 = tpu.memref_slice %arg4[%add3A_107] : memref<2097152xf32, #tpu.memory_space<hbm>> -> memref<8192xf32, #tpu.memory_space<hbm>>
    tpu.enqueue_dma source(%dma_start3A_113 : memref<8192xf32, #tpu.memory_space<hbm>>) target(%arg14 : memref<8192xf32, #tpu.memory_space<vmem>>) target_semaphore(%arg25 : memref<!tpu.dma_semaphore, #tpu.memory_space<semaphore_mem>>)
    %dma_wait3A_114 = tpu.memref_slice %arg2[%add3A_65] : memref<2097152xf32, #tpu.memory_space<hbm>> -> memref<8192xf32, #tpu.memory_space<hbm>>
    %dma_wait3A_115 = tpu.memref_slice %arg2[%add3A_65] : memref<2097152xf32, #tpu.memory_space<hbm>> -> memref<8192xf32, #tpu.memory_space<hbm>>
    tpu.wait_dma2 semaphore(%arg24 : memref<!tpu.dma_semaphore, #tpu.memory_space<semaphore_mem>>) src(%dma_wait3A_115 : memref<8192xf32, #tpu.memory_space<hbm>>) dst(%arg9 : memref<8192xf32, #tpu.memory_space<vmem>>)
    %dma_wait3A_116 = tpu.memref_slice %arg3[%add3A_65] : memref<2097152xf32, #tpu.memory_space<hbm>> -> memref<8192xf32, #tpu.memory_space<hbm>>
    %dma_wait3A_117 = tpu.memref_slice %arg3[%add3A_65] : memref<2097152xf32, #tpu.memory_space<hbm>> -> memref<8192xf32, #tpu.memory_space<hbm>>
    tpu.wait_dma2 semaphore(%arg24 : memref<!tpu.dma_semaphore, #tpu.memory_space<semaphore_mem>>) src(%dma_wait3A_117 : memref<8192xf32, #tpu.memory_space<hbm>>) dst(%arg10 : memref<8192xf32, #tpu.memory_space<vmem>>)
    %dma_wait3A_118 = tpu.memref_slice %arg4[%add3A_65] : memref<2097152xf32, #tpu.memory_space<hbm>> -> memref<8192xf32, #tpu.memory_space<hbm>>
    %dma_wait3A_119 = tpu.memref_slice %arg4[%add3A_65] : memref<2097152xf32, #tpu.memory_space<hbm>> -> memref<8192xf32, #tpu.memory_space<hbm>>
    tpu.wait_dma2 semaphore(%arg24 : memref<!tpu.dma_semaphore, #tpu.memory_space<semaphore_mem>>) src(%dma_wait3A_119 : memref<8192xf32, #tpu.memory_space<hbm>>) dst(%arg11 : memref<8192xf32, #tpu.memory_space<vmem>>)
    %scan3A_120 = arith.constant 0 : i32
    %scan3A_121 = arith.constant 0 : i32
    %scan3A_122 = arith.constant 512 : i32
    %scan3A_123 = arith.addi %scan3A_121, %scan3A_122 : i32
    %scan3A_124 = arith.constant 1 : i32
    %scan3A_125 = scf.for %scan3A_395 = %scan3A_121 to %scan3A_123 step %scan3A_124 iter_args(%scan3A_396 = %scan3A_120) -> (i32)  : i32 {
      %mul3A_397 = arith.constant 16 : i32
      %mul3A_398 = arith.muli %scan3A_395, %mul3A_397 : i32
      %get3A_399 = arith.index_cast %mul3A_398 : i32 to index
      %get3A_400 = tpu.vector_load %arg9[%get3A_399] {strides = array<i32>} : memref<8192xf32, #tpu.memory_space<vmem>>, vector<16xf32>,
      %get3A_401 = vector.shape_cast %get3A_400 : vector<16xf32> to vector<16xf32>
      %sub3A = arith.subf %get3A_401, %get3A_4 : vector<16xf32>
      %mul3A_402 = arith.mulf %sub3A, %get3A_19 : vector<16xf32>
      %get3A_403 = arith.index_cast %mul3A_398 : i32 to index
      %get3A_404 = tpu.vector_load %arg10[%get3A_403] {strides = array<i32>} : memref<8192xf32, #tpu.memory_space<vmem>>, vector<16xf32>,
      %get3A_405 = vector.shape_cast %get3A_404 : vector<16xf32> to vector<16xf32>
      %sub3A_406 = arith.subf %get3A_405, %get3A_9 : vector<16xf32>
      %mul3A_407 = arith.mulf %sub3A_406, %get3A_24 : vector<16xf32>
      %get3A_408 = arith.index_cast %mul3A_398 : i32 to index
      %get3A_409 = tpu.vector_load %arg11[%get3A_408] {strides = array<i32>} : memref<8192xf32, #tpu.memory_space<vmem>>, vector<16xf32>,
      %get3A_410 = vector.shape_cast %get3A_409 : vector<16xf32> to vector<16xf32>
      %sub3A_411 = arith.subf %get3A_410, %get3A_14 : vector<16xf32>
      %mul3A_412 = arith.mulf %sub3A_411, %get3A_29 : vector<16xf32>
      %min3A = arith.minimumf %mul3A_402, %mul3A_407 : vector<16xf32>
      %min3A_413 = arith.minimumf %min3A, %mul3A_412 : vector<16xf32>
      %max3A = arith.maximumf %mul3A_402, %mul3A_407 : vector<16xf32>
      %max3A_414 = arith.maximumf %max3A, %mul3A_412 : vector<16xf32>
      %gt3A = arith.constant 0.000000e+00 : f32
      %gt3A_415 = vector.broadcast %gt3A : f32 to vector<16xf32>
      %gt3A_416 = arith.cmpf ogt, %min3A_413, %gt3A_415 : vector<16xf32>
      %lt3A = arith.constant 1.280000e+02 : f32
      %lt3A_417 = vector.broadcast %lt3A : f32 to vector<16xf32>
      %lt3A_418 = arith.cmpf olt, %max3A_414, %lt3A_417 : vector<16xf32>
      %and3A = arith.andi %gt3A_416, %lt3A_418 : vector<16xi1>
      %convert_element_type3A = arith.fptosi %mul3A_402 : vector<16xf32> to vector<16xi32>
      %convert_element_type3A_419 = arith.fptosi %mul3A_407 : vector<16xf32> to vector<16xi32>
      %convert_element_type3A_420 = arith.fptosi %mul3A_412 : vector<16xf32> to vector<16xi32>
      %mul3A_421 = arith.constant 16384 : i32
      %mul3A_422 = vector.broadcast %mul3A_421 : i32 to vector<16xi32>
      %mul3A_423 = arith.muli %convert_element_type3A, %mul3A_422 : vector<16xi32>
      %mul3A_424 = arith.constant 128 : i32
      %mul3A_425 = vector.broadcast %mul3A_424 : i32 to vector<16xi32>
      %mul3A_426 = arith.muli %convert_element_type3A_419, %mul3A_425 : vector<16xi32>
      %add3A_427 = arith.addi %mul3A_423, %mul3A_426 : vector<16xi32>
      %add3A_428 = arith.addi %add3A_427, %convert_element_type3A_420 : vector<16xi32>
      %jit3A = arith.constant 2097152 : i32
      %broadcast_in_dim3A = vector.broadcast %jit3A : i32 to vector<16xi32>
      %select_n3A = arith.select %and3A, %add3A_428, %broadcast_in_dim3A : vector<16xi1>, vector<16xi32>
      %swap3A = arith.index_cast %mul3A_398 : i32 to index
      %swap3A_429 = tpu.vector_load %arg15[%swap3A] {strides = array<i32>} : memref<8192xi32, #tpu.memory_space<vmem>>, vector<16xi32>,
      %swap3A_430 = vector.shape_cast %swap3A_429 : vector<16xi32> to vector<16xi32>
      %swap3A_431 = vector.shape_cast %select_n3A : vector<16xi32> to vector<16xi32>
      tpu.vector_store %arg15[%swap3A], %swap3A_431 {strides = array<i32>} : memref<8192xi32, #tpu.memory_space<vmem>>, vector<16xi32>,
      %scan3A_432 = arith.constant 0 : i32
      scf.yield %scan3A_432 : i32
    }
    %scan3A_126 = arith.constant 512 : i32
    %dma_start3A_127 = arith.constant 0 : i32
    %dma_start3A_128 = tpu.memref_slice %arg5[%dma_start3A_127] : memref<2162688xi32, #tpu.memory_space<hbm>> -> memref<2162688xi32, #tpu.memory_space<hbm>>
    tpu.enqueue_indirect_dma source(%dma_start3A_128 : memref<2162688xi32, #tpu.memory_space<hbm>>) target(%arg17 : memref<8192xi32, #tpu.memory_space<vmem>>) offsets(%arg15 : memref<8192xi32, #tpu.memory_space<vmem>>) semaphore(%arg26 : memref<!tpu.dma_semaphore, #tpu.memory_space<semaphore_mem>>)
    %dma_wait3A_129 = arith.constant 0 : i32
    %dma_wait3A_130 = tpu.memref_slice %arg5[%dma_wait3A_129] : memref<2162688xi32, #tpu.memory_space<hbm>> -> memref<2162688xi32, #tpu.memory_space<hbm>>
    tpu.wait_indirect_dma semaphore(%arg27 : memref<!tpu.dma_semaphore, #tpu.memory_space<semaphore_mem>>) src(%dma_wait3A_130 : memref<2162688xi32, #tpu.memory_space<hbm>>) dst(%arg18 : memref<8192xi32, #tpu.memory_space<vmem>>)
    %scan3A_131 = arith.constant 0 : i32
    %scan3A_132 = arith.constant 0 : i32
    %scan3A_133 = arith.constant 512 : i32
    %scan3A_134 = arith.addi %scan3A_132, %scan3A_133 : i32
    %scan3A_135 = arith.constant 1 : i32
    %scan3A_136 = scf.for %scan3A_395 = %scan3A_132 to %scan3A_134 step %scan3A_135 iter_args(%scan3A_396 = %scan3A_131) -> (i32)  : i32 {
      %mul3A_397 = arith.constant 16 : i32
      %mul3A_398 = arith.muli %scan3A_395, %mul3A_397 : i32
      %get3A_399 = arith.index_cast %mul3A_398 : i32 to index
      %get3A_400 = tpu.vector_load %arg18[%get3A_399] {strides = array<i32>} : memref<8192xi32, #tpu.memory_space<vmem>>, vector<16xi32>,
      %get3A_401 = vector.shape_cast %get3A_400 : vector<16xi32> to vector<16xi32>
      %and3A = arith.constant 2147483647 : i32
      %and3A_402 = vector.broadcast %and3A : i32 to vector<16xi32>
      %and3A_403 = arith.andi %get3A_401, %and3A_402 : vector<16xi32>
      %swap3A = arith.index_cast %mul3A_398 : i32 to index
      %swap3A_404 = tpu.vector_load %arg20[%swap3A] {strides = array<i32>} : memref<8192xi32, #tpu.memory_space<vmem>>, vector<16xi32>,
      %swap3A_405 = vector.shape_cast %swap3A_404 : vector<16xi32> to vector<16xi32>
      %swap3A_406 = vector.shape_cast %and3A_403 : vector<16xi32> to vector<16xi32>
      tpu.vector_store %arg20[%swap3A], %swap3A_406 {strides = array<i32>} : memref<8192xi32, #tpu.memory_space<vmem>>, vector<16xi32>,
      %shift_right_logical3A = arith.constant 31 : i32
      %shift_right_logical3A_407 = vector.broadcast %shift_right_logical3A : i32 to vector<16xi32>
      %shift_right_logical3A_408 = arith.shrui %get3A_401, %shift_right_logical3A_407 : vector<16xi32>
      %swap3A_409 = arith.index_cast %mul3A_398 : i32 to index
      %swap3A_410 = tpu.vector_load %arg22[%swap3A_409] {strides = array<i32>} : memref<8192xi32, #tpu.memory_space<vmem>>, vector<16xi32>,
      %swap3A_411 = vector.shape_cast %swap3A_410 : vector<16xi32> to vector<16xi32>
      %swap3A_412 = vector.shape_cast %shift_right_logical3A_408 : vector<16xi32> to vector<16xi32>
      tpu.vector_store %arg22[%swap3A_409], %swap3A_412 {strides = array<i32>} : memref<8192xi32, #tpu.memory_space<vmem>>, vector<16xi32>,
      %scan3A_413 = arith.constant 0 : i32
      scf.yield %scan3A_413 : i32
    }
    %scan3A_137 = arith.constant 512 : i32
    %mul3A_138 = arith.constant 65536 : i32
    %mul3A_139 = arith.muli %add3A, %mul3A_138 : i32
    %add3A_140 = arith.constant 8192 : i32
    %add3A_141 = arith.addi %mul3A_139, %add3A_140 : i32
    %dma_start3A_142 = tpu.memref_slice %arg7[%add3A_141] : memref<2097152xi32, #tpu.memory_space<hbm>> -> memref<8192xi32, #tpu.memory_space<hbm>>
    %dma_start3A_143 = tpu.memref_slice %arg7[%add3A_141] : memref<2097152xi32, #tpu.memory_space<hbm>> -> memref<8192xi32, #tpu.memory_space<hbm>>
    tpu.enqueue_dma source(%arg20 : memref<8192xi32, #tpu.memory_space<vmem>>) target(%dma_start3A_143 : memref<8192xi32, #tpu.memory_space<hbm>>) target_semaphore(%arg29 : memref<!tpu.dma_semaphore, #tpu.memory_space<semaphore_mem>>)
    %dma_start3A_144 = tpu.memref_slice %arg8[%add3A_141] : memref<2097152xi32, #tpu.memory_space<hbm>> -> memref<8192xi32, #tpu.memory_space<hbm>>
    %dma_start3A_145 = tpu.memref_slice %arg8[%add3A_141] : memref<2097152xi32, #tpu.memory_space<hbm>> -> memref<8192xi32, #tpu.memory_space<hbm>>
    tpu.enqueue_dma source(%arg22 : memref<8192xi32, #tpu.memory_space<vmem>>) target(%dma_start3A_145 : memref<8192xi32, #tpu.memory_space<hbm>>) target_semaphore(%arg29 : memref<!tpu.dma_semaphore, #tpu.memory_space<semaphore_mem>>)
    %mul3A_146 = arith.constant 65536 : i32
    %mul3A_147 = arith.muli %add3A, %mul3A_146 : i32
    %add3A_148 = arith.constant 32768 : i32
    %add3A_149 = arith.addi %mul3A_147, %add3A_148 : i32
    %dma_start3A_150 = tpu.memref_slice %arg2[%add3A_149] : memref<2097152xf32, #tpu.memory_space<hbm>> -> memref<8192xf32, #tpu.memory_space<hbm>>
    %dma_start3A_151 = tpu.memref_slice %arg2[%add3A_149] : memref<2097152xf32, #tpu.memory_space<hbm>> -> memref<8192xf32, #tpu.memory_space<hbm>>
    tpu.enqueue_dma source(%dma_start3A_151 : memref<8192xf32, #tpu.memory_space<hbm>>) target(%arg9 : memref<8192xf32, #tpu.memory_space<vmem>>) target_semaphore(%arg24 : memref<!tpu.dma_semaphore, #tpu.memory_space<semaphore_mem>>)
    %dma_start3A_152 = tpu.memref_slice %arg3[%add3A_149] : memref<2097152xf32, #tpu.memory_space<hbm>> -> memref<8192xf32, #tpu.memory_space<hbm>>
    %dma_start3A_153 = tpu.memref_slice %arg3[%add3A_149] : memref<2097152xf32, #tpu.memory_space<hbm>> -> memref<8192xf32, #tpu.memory_space<hbm>>
    tpu.enqueue_dma source(%dma_start3A_153 : memref<8192xf32, #tpu.memory_space<hbm>>) target(%arg10 : memref<8192xf32, #tpu.memory_space<vmem>>) target_semaphore(%arg24 : memref<!tpu.dma_semaphore, #tpu.memory_space<semaphore_mem>>)
    %dma_start3A_154 = tpu.memref_slice %arg4[%add3A_149] : memref<2097152xf32, #tpu.memory_space<hbm>> -> memref<8192xf32, #tpu.memory_space<hbm>>
    %dma_start3A_155 = tpu.memref_slice %arg4[%add3A_149] : memref<2097152xf32, #tpu.memory_space<hbm>> -> memref<8192xf32, #tpu.memory_space<hbm>>
    tpu.enqueue_dma source(%dma_start3A_155 : memref<8192xf32, #tpu.memory_space<hbm>>) target(%arg11 : memref<8192xf32, #tpu.memory_space<vmem>>) target_semaphore(%arg24 : memref<!tpu.dma_semaphore, #tpu.memory_space<semaphore_mem>>)
    %dma_wait3A_156 = tpu.memref_slice %arg2[%add3A_107] : memref<2097152xf32, #tpu.memory_space<hbm>> -> memref<8192xf32, #tpu.memory_space<hbm>>
    %dma_wait3A_157 = tpu.memref_slice %arg2[%add3A_107] : memref<2097152xf32, #tpu.memory_space<hbm>> -> memref<8192xf32, #tpu.memory_space<hbm>>
    tpu.wait_dma2 semaphore(%arg25 : memref<!tpu.dma_semaphore, #tpu.memory_space<semaphore_mem>>) src(%dma_wait3A_157 : memref<8192xf32, #tpu.memory_space<hbm>>) dst(%arg12 : memref<8192xf32, #tpu.memory_space<vmem>>)
    %dma_wait3A_158 = tpu.memref_slice %arg3[%add3A_107] : memref<2097152xf32, #tpu.memory_space<hbm>> -> memref<8192xf32, #tpu.memory_space<hbm>>
    %dma_wait3A_159 = tpu.memref_slice %arg3[%add3A_107] : memref<2097152xf32, #tpu.memory_space<hbm>> -> memref<8192xf32, #tpu.memory_space<hbm>>
    tpu.wait_dma2 semaphore(%arg25 : memref<!tpu.dma_semaphore, #tpu.memory_space<semaphore_mem>>) src(%dma_wait3A_159 : memref<8192xf32, #tpu.memory_space<hbm>>) dst(%arg13 : memref<8192xf32, #tpu.memory_space<vmem>>)
    %dma_wait3A_160 = tpu.memref_slice %arg4[%add3A_107] : memref<2097152xf32, #tpu.memory_space<hbm>> -> memref<8192xf32, #tpu.memory_space<hbm>>
    %dma_wait3A_161 = tpu.memref_slice %arg4[%add3A_107] : memref<2097152xf32, #tpu.memory_space<hbm>> -> memref<8192xf32, #tpu.memory_space<hbm>>
    tpu.wait_dma2 semaphore(%arg25 : memref<!tpu.dma_semaphore, #tpu.memory_space<semaphore_mem>>) src(%dma_wait3A_161 : memref<8192xf32, #tpu.memory_space<hbm>>) dst(%arg14 : memref<8192xf32, #tpu.memory_space<vmem>>)
    %scan3A_162 = arith.constant 0 : i32
    %scan3A_163 = arith.constant 0 : i32
    %scan3A_164 = arith.constant 512 : i32
    %scan3A_165 = arith.addi %scan3A_163, %scan3A_164 : i32
    %scan3A_166 = arith.constant 1 : i32
    %scan3A_167 = scf.for %scan3A_395 = %scan3A_163 to %scan3A_165 step %scan3A_166 iter_args(%scan3A_396 = %scan3A_162) -> (i32)  : i32 {
      %mul3A_397 = arith.constant 16 : i32
      %mul3A_398 = arith.muli %scan3A_395, %mul3A_397 : i32
      %get3A_399 = arith.index_cast %mul3A_398 : i32 to index
      %get3A_400 = tpu.vector_load %arg12[%get3A_399] {strides = array<i32>} : memref<8192xf32, #tpu.memory_space<vmem>>, vector<16xf32>,
      %get3A_401 = vector.shape_cast %get3A_400 : vector<16xf32> to vector<16xf32>
      %sub3A = arith.subf %get3A_401, %get3A_4 : vector<16xf32>
      %mul3A_402 = arith.mulf %sub3A, %get3A_19 : vector<16xf32>
      %get3A_403 = arith.index_cast %mul3A_398 : i32 to index
      %get3A_404 = tpu.vector_load %arg13[%get3A_403] {strides = array<i32>} : memref<8192xf32, #tpu.memory_space<vmem>>, vector<16xf32>,
      %get3A_405 = vector.shape_cast %get3A_404 : vector<16xf32> to vector<16xf32>
      %sub3A_406 = arith.subf %get3A_405, %get3A_9 : vector<16xf32>
      %mul3A_407 = arith.mulf %sub3A_406, %get3A_24 : vector<16xf32>
      %get3A_408 = arith.index_cast %mul3A_398 : i32 to index
      %get3A_409 = tpu.vector_load %arg14[%get3A_408] {strides = array<i32>} : memref<8192xf32, #tpu.memory_space<vmem>>, vector<16xf32>,
      %get3A_410 = vector.shape_cast %get3A_409 : vector<16xf32> to vector<16xf32>
      %sub3A_411 = arith.subf %get3A_410, %get3A_14 : vector<16xf32>
      %mul3A_412 = arith.mulf %sub3A_411, %get3A_29 : vector<16xf32>
      %min3A = arith.minimumf %mul3A_402, %mul3A_407 : vector<16xf32>
      %min3A_413 = arith.minimumf %min3A, %mul3A_412 : vector<16xf32>
      %max3A = arith.maximumf %mul3A_402, %mul3A_407 : vector<16xf32>
      %max3A_414 = arith.maximumf %max3A, %mul3A_412 : vector<16xf32>
      %gt3A = arith.constant 0.000000e+00 : f32
      %gt3A_415 = vector.broadcast %gt3A : f32 to vector<16xf32>
      %gt3A_416 = arith.cmpf ogt, %min3A_413, %gt3A_415 : vector<16xf32>
      %lt3A = arith.constant 1.280000e+02 : f32
      %lt3A_417 = vector.broadcast %lt3A : f32 to vector<16xf32>
      %lt3A_418 = arith.cmpf olt, %max3A_414, %lt3A_417 : vector<16xf32>
      %and3A = arith.andi %gt3A_416, %lt3A_418 : vector<16xi1>
      %convert_element_type3A = arith.fptosi %mul3A_402 : vector<16xf32> to vector<16xi32>
      %convert_element_type3A_419 = arith.fptosi %mul3A_407 : vector<16xf32> to vector<16xi32>
      %convert_element_type3A_420 = arith.fptosi %mul3A_412 : vector<16xf32> to vector<16xi32>
      %mul3A_421 = arith.constant 16384 : i32
      %mul3A_422 = vector.broadcast %mul3A_421 : i32 to vector<16xi32>
      %mul3A_423 = arith.muli %convert_element_type3A, %mul3A_422 : vector<16xi32>
      %mul3A_424 = arith.constant 128 : i32
      %mul3A_425 = vector.broadcast %mul3A_424 : i32 to vector<16xi32>
      %mul3A_426 = arith.muli %convert_element_type3A_419, %mul3A_425 : vector<16xi32>
      %add3A_427 = arith.addi %mul3A_423, %mul3A_426 : vector<16xi32>
      %add3A_428 = arith.addi %add3A_427, %convert_element_type3A_420 : vector<16xi32>
      %jit3A = arith.constant 2097152 : i32
      %broadcast_in_dim3A = vector.broadcast %jit3A : i32 to vector<16xi32>
      %select_n3A = arith.select %and3A, %add3A_428, %broadcast_in_dim3A : vector<16xi1>, vector<16xi32>
      %swap3A = arith.index_cast %mul3A_398 : i32 to index
      %swap3A_429 = tpu.vector_load %arg16[%swap3A] {strides = array<i32>} : memref<8192xi32, #tpu.memory_space<vmem>>, vector<16xi32>,
      %swap3A_430 = vector.shape_cast %swap3A_429 : vector<16xi32> to vector<16xi32>
      %swap3A_431 = vector.shape_cast %select_n3A : vector<16xi32> to vector<16xi32>
      tpu.vector_store %arg16[%swap3A], %swap3A_431 {strides = array<i32>} : memref<8192xi32, #tpu.memory_space<vmem>>, vector<16xi32>,
      %scan3A_432 = arith.constant 0 : i32
      scf.yield %scan3A_432 : i32
    }
    %scan3A_168 = arith.constant 512 : i32
    %dma_start3A_169 = arith.constant 0 : i32
    %dma_start3A_170 = tpu.memref_slice %arg5[%dma_start3A_169] : memref<2162688xi32, #tpu.memory_space<hbm>> -> memref<2162688xi32, #tpu.memory_space<hbm>>
    tpu.enqueue_indirect_dma source(%dma_start3A_170 : memref<2162688xi32, #tpu.memory_space<hbm>>) target(%arg18 : memref<8192xi32, #tpu.memory_space<vmem>>) offsets(%arg16 : memref<8192xi32, #tpu.memory_space<vmem>>) semaphore(%arg27 : memref<!tpu.dma_semaphore, #tpu.memory_space<semaphore_mem>>)
    %dma_wait3A_171 = arith.constant 0 : i32
    %dma_wait3A_172 = tpu.memref_slice %arg5[%dma_wait3A_171] : memref<2162688xi32, #tpu.memory_space<hbm>> -> memref<2162688xi32, #tpu.memory_space<hbm>>
    tpu.wait_indirect_dma semaphore(%arg26 : memref<!tpu.dma_semaphore, #tpu.memory_space<semaphore_mem>>) src(%dma_wait3A_172 : memref<2162688xi32, #tpu.memory_space<hbm>>) dst(%arg17 : memref<8192xi32, #tpu.memory_space<vmem>>)
    %dma_wait3A_173 = tpu.memref_slice %arg7[%add3A_99] : memref<2097152xi32, #tpu.memory_space<hbm>> -> memref<8192xi32, #tpu.memory_space<hbm>>
    %dma_wait3A_174 = tpu.memref_slice %arg7[%add3A_99] : memref<2097152xi32, #tpu.memory_space<hbm>> -> memref<8192xi32, #tpu.memory_space<hbm>>
    tpu.wait_dma2 semaphore(%arg28 : memref<!tpu.dma_semaphore, #tpu.memory_space<semaphore_mem>>) src(%arg19 : memref<8192xi32, #tpu.memory_space<vmem>>) dst(%dma_wait3A_174 : memref<8192xi32, #tpu.memory_space<hbm>>)
    %dma_wait3A_175 = tpu.memref_slice %arg8[%add3A_99] : memref<2097152xi32, #tpu.memory_space<hbm>> -> memref<8192xi32, #tpu.memory_space<hbm>>
    %dma_wait3A_176 = tpu.memref_slice %arg8[%add3A_99] : memref<2097152xi32, #tpu.memory_space<hbm>> -> memref<8192xi32, #tpu.memory_space<hbm>>
    tpu.wait_dma2 semaphore(%arg28 : memref<!tpu.dma_semaphore, #tpu.memory_space<semaphore_mem>>) src(%arg21 : memref<8192xi32, #tpu.memory_space<vmem>>) dst(%dma_wait3A_176 : memref<8192xi32, #tpu.memory_space<hbm>>)
    %scan3A_177 = arith.constant 0 : i32
    %scan3A_178 = arith.constant 0 : i32
    %scan3A_179 = arith.constant 512 : i32
    %scan3A_180 = arith.addi %scan3A_178, %scan3A_179 : i32
    %scan3A_181 = arith.constant 1 : i32
    %scan3A_182 = scf.for %scan3A_395 = %scan3A_178 to %scan3A_180 step %scan3A_181 iter_args(%scan3A_396 = %scan3A_177) -> (i32)  : i32 {
      %mul3A_397 = arith.constant 16 : i32
      %mul3A_398 = arith.muli %scan3A_395, %mul3A_397 : i32
      %get3A_399 = arith.index_cast %mul3A_398 : i32 to index
      %get3A_400 = tpu.vector_load %arg17[%get3A_399] {strides = array<i32>} : memref<8192xi32, #tpu.memory_space<vmem>>, vector<16xi32>,
      %get3A_401 = vector.shape_cast %get3A_400 : vector<16xi32> to vector<16xi32>
      %and3A = arith.constant 2147483647 : i32
      %and3A_402 = vector.broadcast %and3A : i32 to vector<16xi32>
      %and3A_403 = arith.andi %get3A_401, %and3A_402 : vector<16xi32>
      %swap3A = arith.index_cast %mul3A_398 : i32 to index
      %swap3A_404 = tpu.vector_load %arg19[%swap3A] {strides = array<i32>} : memref<8192xi32, #tpu.memory_space<vmem>>, vector<16xi32>,
      %swap3A_405 = vector.shape_cast %swap3A_404 : vector<16xi32> to vector<16xi32>
      %swap3A_406 = vector.shape_cast %and3A_403 : vector<16xi32> to vector<16xi32>
      tpu.vector_store %arg19[%swap3A], %swap3A_406 {strides = array<i32>} : memref<8192xi32, #tpu.memory_space<vmem>>, vector<16xi32>,
      %shift_right_logical3A = arith.constant 31 : i32
      %shift_right_logical3A_407 = vector.broadcast %shift_right_logical3A : i32 to vector<16xi32>
      %shift_right_logical3A_408 = arith.shrui %get3A_401, %shift_right_logical3A_407 : vector<16xi32>
      %swap3A_409 = arith.index_cast %mul3A_398 : i32 to index
      %swap3A_410 = tpu.vector_load %arg21[%swap3A_409] {strides = array<i32>} : memref<8192xi32, #tpu.memory_space<vmem>>, vector<16xi32>,
      %swap3A_411 = vector.shape_cast %swap3A_410 : vector<16xi32> to vector<16xi32>
      %swap3A_412 = vector.shape_cast %shift_right_logical3A_408 : vector<16xi32> to vector<16xi32>
      tpu.vector_store %arg21[%swap3A_409], %swap3A_412 {strides = array<i32>} : memref<8192xi32, #tpu.memory_space<vmem>>, vector<16xi32>,
      %scan3A_413 = arith.constant 0 : i32
      scf.yield %scan3A_413 : i32
    }
    %scan3A_183 = arith.constant 512 : i32
    %mul3A_184 = arith.constant 65536 : i32
    %mul3A_185 = arith.muli %add3A, %mul3A_184 : i32
    %add3A_186 = arith.constant 16384 : i32
    %add3A_187 = arith.addi %mul3A_185, %add3A_186 : i32
    %dma_start3A_188 = tpu.memref_slice %arg7[%add3A_187] : memref<2097152xi32, #tpu.memory_space<hbm>> -> memref<8192xi32, #tpu.memory_space<hbm>>
    %dma_start3A_189 = tpu.memref_slice %arg7[%add3A_187] : memref<2097152xi32, #tpu.memory_space<hbm>> -> memref<8192xi32, #tpu.memory_space<hbm>>
    tpu.enqueue_dma source(%arg19 : memref<8192xi32, #tpu.memory_space<vmem>>) target(%dma_start3A_189 : memref<8192xi32, #tpu.memory_space<hbm>>) target_semaphore(%arg28 : memref<!tpu.dma_semaphore, #tpu.memory_space<semaphore_mem>>)
    %dma_start3A_190 = tpu.memref_slice %arg8[%add3A_187] : memref<2097152xi32, #tpu.memory_space<hbm>> -> memref<8192xi32, #tpu.memory_space<hbm>>
    %dma_start3A_191 = tpu.memref_slice %arg8[%add3A_187] : memref<2097152xi32, #tpu.memory_space<hbm>> -> memref<8192xi32, #tpu.memory_space<hbm>>
    tpu.enqueue_dma source(%arg21 : memref<8192xi32, #tpu.memory_space<vmem>>) target(%dma_start3A_191 : memref<8192xi32, #tpu.memory_space<hbm>>) target_semaphore(%arg28 : memref<!tpu.dma_semaphore, #tpu.memory_space<semaphore_mem>>)
    %mul3A_192 = arith.constant 65536 : i32
    %mul3A_193 = arith.muli %add3A, %mul3A_192 : i32
    %add3A_194 = arith.constant 40960 : i32
    %add3A_195 = arith.addi %mul3A_193, %add3A_194 : i32
    %dma_start3A_196 = tpu.memref_slice %arg2[%add3A_195] : memref<2097152xf32, #tpu.memory_space<hbm>> -> memref<8192xf32, #tpu.memory_space<hbm>>
    %dma_start3A_197 = tpu.memref_slice %arg2[%add3A_195] : memref<2097152xf32, #tpu.memory_space<hbm>> -> memref<8192xf32, #tpu.memory_space<hbm>>
    tpu.enqueue_dma source(%dma_start3A_197 : memref<8192xf32, #tpu.memory_space<hbm>>) target(%arg12 : memref<8192xf32, #tpu.memory_space<vmem>>) target_semaphore(%arg25 : memref<!tpu.dma_semaphore, #tpu.memory_space<semaphore_mem>>)
    %dma_start3A_198 = tpu.memref_slice %arg3[%add3A_195] : memref<2097152xf32, #tpu.memory_space<hbm>> -> memref<8192xf32, #tpu.memory_space<hbm>>
    %dma_start3A_199 = tpu.memref_slice %arg3[%add3A_195] : memref<2097152xf32, #tpu.memory_space<hbm>> -> memref<8192xf32, #tpu.memory_space<hbm>>
    tpu.enqueue_dma source(%dma_start3A_199 : memref<8192xf32, #tpu.memory_space<hbm>>) target(%arg13 : memref<8192xf32, #tpu.memory_space<vmem>>) target_semaphore(%arg25 : memref<!tpu.dma_semaphore, #tpu.memory_space<semaphore_mem>>)
    %dma_start3A_200 = tpu.memref_slice %arg4[%add3A_195] : memref<2097152xf32, #tpu.memory_space<hbm>> -> memref<8192xf32, #tpu.memory_space<hbm>>
    %dma_start3A_201 = tpu.memref_slice %arg4[%add3A_195] : memref<2097152xf32, #tpu.memory_space<hbm>> -> memref<8192xf32, #tpu.memory_space<hbm>>
    tpu.enqueue_dma source(%dma_start3A_201 : memref<8192xf32, #tpu.memory_space<hbm>>) target(%arg14 : memref<8192xf32, #tpu.memory_space<vmem>>) target_semaphore(%arg25 : memref<!tpu.dma_semaphore, #tpu.memory_space<semaphore_mem>>)
    %dma_wait3A_202 = tpu.memref_slice %arg2[%add3A_149] : memref<2097152xf32, #tpu.memory_space<hbm>> -> memref<8192xf32, #tpu.memory_space<hbm>>
    %dma_wait3A_203 = tpu.memref_slice %arg2[%add3A_149] : memref<2097152xf32, #tpu.memory_space<hbm>> -> memref<8192xf32, #tpu.memory_space<hbm>>
    tpu.wait_dma2 semaphore(%arg24 : memref<!tpu.dma_semaphore, #tpu.memory_space<semaphore_mem>>) src(%dma_wait3A_203 : memref<8192xf32, #tpu.memory_space<hbm>>) dst(%arg9 : memref<8192xf32, #tpu.memory_space<vmem>>)
    %dma_wait3A_204 = tpu.memref_slice %arg3[%add3A_149] : memref<2097152xf32, #tpu.memory_space<hbm>> -> memref<8192xf32, #tpu.memory_space<hbm>>
    %dma_wait3A_205 = tpu.memref_slice %arg3[%add3A_149] : memref<2097152xf32, #tpu.memory_space<hbm>> -> memref<8192xf32, #tpu.memory_space<hbm>>
    tpu.wait_dma2 semaphore(%arg24 : memref<!tpu.dma_semaphore, #tpu.memory_space<semaphore_mem>>) src(%dma_wait3A_205 : memref<8192xf32, #tpu.memory_space<hbm>>) dst(%arg10 : memref<8192xf32, #tpu.memory_space<vmem>>)
    %dma_wait3A_206 = tpu.memref_slice %arg4[%add3A_149] : memref<2097152xf32, #tpu.memory_space<hbm>> -> memref<8192xf32, #tpu.memory_space<hbm>>
    %dma_wait3A_207 = tpu.memref_slice %arg4[%add3A_149] : memref<2097152xf32, #tpu.memory_space<hbm>> -> memref<8192xf32, #tpu.memory_space<hbm>>
    tpu.wait_dma2 semaphore(%arg24 : memref<!tpu.dma_semaphore, #tpu.memory_space<semaphore_mem>>) src(%dma_wait3A_207 : memref<8192xf32, #tpu.memory_space<hbm>>) dst(%arg11 : memref<8192xf32, #tpu.memory_space<vmem>>)
    %scan3A_208 = arith.constant 0 : i32
    %scan3A_209 = arith.constant 0 : i32
    %scan3A_210 = arith.constant 512 : i32
    %scan3A_211 = arith.addi %scan3A_209, %scan3A_210 : i32
    %scan3A_212 = arith.constant 1 : i32
    %scan3A_213 = scf.for %scan3A_395 = %scan3A_209 to %scan3A_211 step %scan3A_212 iter_args(%scan3A_396 = %scan3A_208) -> (i32)  : i32 {
      %mul3A_397 = arith.constant 16 : i32
      %mul3A_398 = arith.muli %scan3A_395, %mul3A_397 : i32
      %get3A_399 = arith.index_cast %mul3A_398 : i32 to index
      %get3A_400 = tpu.vector_load %arg9[%get3A_399] {strides = array<i32>} : memref<8192xf32, #tpu.memory_space<vmem>>, vector<16xf32>,
      %get3A_401 = vector.shape_cast %get3A_400 : vector<16xf32> to vector<16xf32>
      %sub3A = arith.subf %get3A_401, %get3A_4 : vector<16xf32>
      %mul3A_402 = arith.mulf %sub3A, %get3A_19 : vector<16xf32>
      %get3A_403 = arith.index_cast %mul3A_398 : i32 to index
      %get3A_404 = tpu.vector_load %arg10[%get3A_403] {strides = array<i32>} : memref<8192xf32, #tpu.memory_space<vmem>>, vector<16xf32>,
      %get3A_405 = vector.shape_cast %get3A_404 : vector<16xf32> to vector<16xf32>
      %sub3A_406 = arith.subf %get3A_405, %get3A_9 : vector<16xf32>
      %mul3A_407 = arith.mulf %sub3A_406, %get3A_24 : vector<16xf32>
      %get3A_408 = arith.index_cast %mul3A_398 : i32 to index
      %get3A_409 = tpu.vector_load %arg11[%get3A_408] {strides = array<i32>} : memref<8192xf32, #tpu.memory_space<vmem>>, vector<16xf32>,
      %get3A_410 = vector.shape_cast %get3A_409 : vector<16xf32> to vector<16xf32>
      %sub3A_411 = arith.subf %get3A_410, %get3A_14 : vector<16xf32>
      %mul3A_412 = arith.mulf %sub3A_411, %get3A_29 : vector<16xf32>
      %min3A = arith.minimumf %mul3A_402, %mul3A_407 : vector<16xf32>
      %min3A_413 = arith.minimumf %min3A, %mul3A_412 : vector<16xf32>
      %max3A = arith.maximumf %mul3A_402, %mul3A_407 : vector<16xf32>
      %max3A_414 = arith.maximumf %max3A, %mul3A_412 : vector<16xf32>
      %gt3A = arith.constant 0.000000e+00 : f32
      %gt3A_415 = vector.broadcast %gt3A : f32 to vector<16xf32>
      %gt3A_416 = arith.cmpf ogt, %min3A_413, %gt3A_415 : vector<16xf32>
      %lt3A = arith.constant 1.280000e+02 : f32
      %lt3A_417 = vector.broadcast %lt3A : f32 to vector<16xf32>
      %lt3A_418 = arith.cmpf olt, %max3A_414, %lt3A_417 : vector<16xf32>
      %and3A = arith.andi %gt3A_416, %lt3A_418 : vector<16xi1>
      %convert_element_type3A = arith.fptosi %mul3A_402 : vector<16xf32> to vector<16xi32>
      %convert_element_type3A_419 = arith.fptosi %mul3A_407 : vector<16xf32> to vector<16xi32>
      %convert_element_type3A_420 = arith.fptosi %mul3A_412 : vector<16xf32> to vector<16xi32>
      %mul3A_421 = arith.constant 16384 : i32
      %mul3A_422 = vector.broadcast %mul3A_421 : i32 to vector<16xi32>
      %mul3A_423 = arith.muli %convert_element_type3A, %mul3A_422 : vector<16xi32>
      %mul3A_424 = arith.constant 128 : i32
      %mul3A_425 = vector.broadcast %mul3A_424 : i32 to vector<16xi32>
      %mul3A_426 = arith.muli %convert_element_type3A_419, %mul3A_425 : vector<16xi32>
      %add3A_427 = arith.addi %mul3A_423, %mul3A_426 : vector<16xi32>
      %add3A_428 = arith.addi %add3A_427, %convert_element_type3A_420 : vector<16xi32>
      %jit3A = arith.constant 2097152 : i32
      %broadcast_in_dim3A = vector.broadcast %jit3A : i32 to vector<16xi32>
      %select_n3A = arith.select %and3A, %add3A_428, %broadcast_in_dim3A : vector<16xi1>, vector<16xi32>
      %swap3A = arith.index_cast %mul3A_398 : i32 to index
      %swap3A_429 = tpu.vector_load %arg15[%swap3A] {strides = array<i32>} : memref<8192xi32, #tpu.memory_space<vmem>>, vector<16xi32>,
      %swap3A_430 = vector.shape_cast %swap3A_429 : vector<16xi32> to vector<16xi32>
      %swap3A_431 = vector.shape_cast %select_n3A : vector<16xi32> to vector<16xi32>
      tpu.vector_store %arg15[%swap3A], %swap3A_431 {strides = array<i32>} : memref<8192xi32, #tpu.memory_space<vmem>>, vector<16xi32>,
      %scan3A_432 = arith.constant 0 : i32
      scf.yield %scan3A_432 : i32
    }
    %scan3A_214 = arith.constant 512 : i32
    %dma_start3A_215 = arith.constant 0 : i32
    %dma_start3A_216 = tpu.memref_slice %arg5[%dma_start3A_215] : memref<2162688xi32, #tpu.memory_space<hbm>> -> memref<2162688xi32, #tpu.memory_space<hbm>>
    tpu.enqueue_indirect_dma source(%dma_start3A_216 : memref<2162688xi32, #tpu.memory_space<hbm>>) target(%arg17 : memref<8192xi32, #tpu.memory_space<vmem>>) offsets(%arg15 : memref<8192xi32, #tpu.memory_space<vmem>>) semaphore(%arg26 : memref<!tpu.dma_semaphore, #tpu.memory_space<semaphore_mem>>)
    %dma_wait3A_217 = arith.constant 0 : i32
    %dma_wait3A_218 = tpu.memref_slice %arg5[%dma_wait3A_217] : memref<2162688xi32, #tpu.memory_space<hbm>> -> memref<2162688xi32, #tpu.memory_space<hbm>>
    tpu.wait_indirect_dma semaphore(%arg27 : memref<!tpu.dma_semaphore, #tpu.memory_space<semaphore_mem>>) src(%dma_wait3A_218 : memref<2162688xi32, #tpu.memory_space<hbm>>) dst(%arg18 : memref<8192xi32, #tpu.memory_space<vmem>>)
    %dma_wait3A_219 = tpu.memref_slice %arg7[%add3A_141] : memref<2097152xi32, #tpu.memory_space<hbm>> -> memref<8192xi32, #tpu.memory_space<hbm>>
    %dma_wait3A_220 = tpu.memref_slice %arg7[%add3A_141] : memref<2097152xi32, #tpu.memory_space<hbm>> -> memref<8192xi32, #tpu.memory_space<hbm>>
    tpu.wait_dma2 semaphore(%arg29 : memref<!tpu.dma_semaphore, #tpu.memory_space<semaphore_mem>>) src(%arg20 : memref<8192xi32, #tpu.memory_space<vmem>>) dst(%dma_wait3A_220 : memref<8192xi32, #tpu.memory_space<hbm>>)
    %dma_wait3A_221 = tpu.memref_slice %arg8[%add3A_141] : memref<2097152xi32, #tpu.memory_space<hbm>> -> memref<8192xi32, #tpu.memory_space<hbm>>
    %dma_wait3A_222 = tpu.memref_slice %arg8[%add3A_141] : memref<2097152xi32, #tpu.memory_space<hbm>> -> memref<8192xi32, #tpu.memory_space<hbm>>
    tpu.wait_dma2 semaphore(%arg29 : memref<!tpu.dma_semaphore, #tpu.memory_space<semaphore_mem>>) src(%arg22 : memref<8192xi32, #tpu.memory_space<vmem>>) dst(%dma_wait3A_222 : memref<8192xi32, #tpu.memory_space<hbm>>)
    %scan3A_223 = arith.constant 0 : i32
    %scan3A_224 = arith.constant 0 : i32
    %scan3A_225 = arith.constant 512 : i32
    %scan3A_226 = arith.addi %scan3A_224, %scan3A_225 : i32
    %scan3A_227 = arith.constant 1 : i32
    %scan3A_228 = scf.for %scan3A_395 = %scan3A_224 to %scan3A_226 step %scan3A_227 iter_args(%scan3A_396 = %scan3A_223) -> (i32)  : i32 {
      %mul3A_397 = arith.constant 16 : i32
      %mul3A_398 = arith.muli %scan3A_395, %mul3A_397 : i32
      %get3A_399 = arith.index_cast %mul3A_398 : i32 to index
      %get3A_400 = tpu.vector_load %arg18[%get3A_399] {strides = array<i32>} : memref<8192xi32, #tpu.memory_space<vmem>>, vector<16xi32>,
      %get3A_401 = vector.shape_cast %get3A_400 : vector<16xi32> to vector<16xi32>
      %and3A = arith.constant 2147483647 : i32
      %and3A_402 = vector.broadcast %and3A : i32 to vector<16xi32>
      %and3A_403 = arith.andi %get3A_401, %and3A_402 : vector<16xi32>
      %swap3A = arith.index_cast %mul3A_398 : i32 to index
      %swap3A_404 = tpu.vector_load %arg20[%swap3A] {strides = array<i32>} : memref<8192xi32, #tpu.memory_space<vmem>>, vector<16xi32>,
      %swap3A_405 = vector.shape_cast %swap3A_404 : vector<16xi32> to vector<16xi32>
      %swap3A_406 = vector.shape_cast %and3A_403 : vector<16xi32> to vector<16xi32>
      tpu.vector_store %arg20[%swap3A], %swap3A_406 {strides = array<i32>} : memref<8192xi32, #tpu.memory_space<vmem>>, vector<16xi32>,
      %shift_right_logical3A = arith.constant 31 : i32
      %shift_right_logical3A_407 = vector.broadcast %shift_right_logical3A : i32 to vector<16xi32>
      %shift_right_logical3A_408 = arith.shrui %get3A_401, %shift_right_logical3A_407 : vector<16xi32>
      %swap3A_409 = arith.index_cast %mul3A_398 : i32 to index
      %swap3A_410 = tpu.vector_load %arg22[%swap3A_409] {strides = array<i32>} : memref<8192xi32, #tpu.memory_space<vmem>>, vector<16xi32>,
      %swap3A_411 = vector.shape_cast %swap3A_410 : vector<16xi32> to vector<16xi32>
      %swap3A_412 = vector.shape_cast %shift_right_logical3A_408 : vector<16xi32> to vector<16xi32>
      tpu.vector_store %arg22[%swap3A_409], %swap3A_412 {strides = array<i32>} : memref<8192xi32, #tpu.memory_space<vmem>>, vector<16xi32>,
      %scan3A_413 = arith.constant 0 : i32
      scf.yield %scan3A_413 : i32
    }
    %scan3A_229 = arith.constant 512 : i32
    %mul3A_230 = arith.constant 65536 : i32
    %mul3A_231 = arith.muli %add3A, %mul3A_230 : i32
    %add3A_232 = arith.constant 24576 : i32
    %add3A_233 = arith.addi %mul3A_231, %add3A_232 : i32
    %dma_start3A_234 = tpu.memref_slice %arg7[%add3A_233] : memref<2097152xi32, #tpu.memory_space<hbm>> -> memref<8192xi32, #tpu.memory_space<hbm>>
    %dma_start3A_235 = tpu.memref_slice %arg7[%add3A_233] : memref<2097152xi32, #tpu.memory_space<hbm>> -> memref<8192xi32, #tpu.memory_space<hbm>>
    tpu.enqueue_dma source(%arg20 : memref<8192xi32, #tpu.memory_space<vmem>>) target(%dma_start3A_235 : memref<8192xi32, #tpu.memory_space<hbm>>) target_semaphore(%arg29 : memref<!tpu.dma_semaphore, #tpu.memory_space<semaphore_mem>>)
    %dma_start3A_236 = tpu.memref_slice %arg8[%add3A_233] : memref<2097152xi32, #tpu.memory_space<hbm>> -> memref<8192xi32, #tpu.memory_space<hbm>>
    %dma_start3A_237 = tpu.memref_slice %arg8[%add3A_233] : memref<2097152xi32, #tpu.memory_space<hbm>> -> memref<8192xi32, #tpu.memory_space<hbm>>
    tpu.enqueue_dma source(%arg22 : memref<8192xi32, #tpu.memory_space<vmem>>) target(%dma_start3A_237 : memref<8192xi32, #tpu.memory_space<hbm>>) target_semaphore(%arg29 : memref<!tpu.dma_semaphore, #tpu.memory_space<semaphore_mem>>)
    %mul3A_238 = arith.constant 65536 : i32
    %mul3A_239 = arith.muli %add3A, %mul3A_238 : i32
    %add3A_240 = arith.constant 49152 : i32
    %add3A_241 = arith.addi %mul3A_239, %add3A_240 : i32
    %dma_start3A_242 = tpu.memref_slice %arg2[%add3A_241] : memref<2097152xf32, #tpu.memory_space<hbm>> -> memref<8192xf32, #tpu.memory_space<hbm>>
    %dma_start3A_243 = tpu.memref_slice %arg2[%add3A_241] : memref<2097152xf32, #tpu.memory_space<hbm>> -> memref<8192xf32, #tpu.memory_space<hbm>>
    tpu.enqueue_dma source(%dma_start3A_243 : memref<8192xf32, #tpu.memory_space<hbm>>) target(%arg9 : memref<8192xf32, #tpu.memory_space<vmem>>) target_semaphore(%arg24 : memref<!tpu.dma_semaphore, #tpu.memory_space<semaphore_mem>>)
    %dma_start3A_244 = tpu.memref_slice %arg3[%add3A_241] : memref<2097152xf32, #tpu.memory_space<hbm>> -> memref<8192xf32, #tpu.memory_space<hbm>>
    %dma_start3A_245 = tpu.memref_slice %arg3[%add3A_241] : memref<2097152xf32, #tpu.memory_space<hbm>> -> memref<8192xf32, #tpu.memory_space<hbm>>
    tpu.enqueue_dma source(%dma_start3A_245 : memref<8192xf32, #tpu.memory_space<hbm>>) target(%arg10 : memref<8192xf32, #tpu.memory_space<vmem>>) target_semaphore(%arg24 : memref<!tpu.dma_semaphore, #tpu.memory_space<semaphore_mem>>)
    %dma_start3A_246 = tpu.memref_slice %arg4[%add3A_241] : memref<2097152xf32, #tpu.memory_space<hbm>> -> memref<8192xf32, #tpu.memory_space<hbm>>
    %dma_start3A_247 = tpu.memref_slice %arg4[%add3A_241] : memref<2097152xf32, #tpu.memory_space<hbm>> -> memref<8192xf32, #tpu.memory_space<hbm>>
    tpu.enqueue_dma source(%dma_start3A_247 : memref<8192xf32, #tpu.memory_space<hbm>>) target(%arg11 : memref<8192xf32, #tpu.memory_space<vmem>>) target_semaphore(%arg24 : memref<!tpu.dma_semaphore, #tpu.memory_space<semaphore_mem>>)
    %dma_wait3A_248 = tpu.memref_slice %arg2[%add3A_195] : memref<2097152xf32, #tpu.memory_space<hbm>> -> memref<8192xf32, #tpu.memory_space<hbm>>
    %dma_wait3A_249 = tpu.memref_slice %arg2[%add3A_195] : memref<2097152xf32, #tpu.memory_space<hbm>> -> memref<8192xf32, #tpu.memory_space<hbm>>
    tpu.wait_dma2 semaphore(%arg25 : memref<!tpu.dma_semaphore, #tpu.memory_space<semaphore_mem>>) src(%dma_wait3A_249 : memref<8192xf32, #tpu.memory_space<hbm>>) dst(%arg12 : memref<8192xf32, #tpu.memory_space<vmem>>)
    %dma_wait3A_250 = tpu.memref_slice %arg3[%add3A_195] : memref<2097152xf32, #tpu.memory_space<hbm>> -> memref<8192xf32, #tpu.memory_space<hbm>>
    %dma_wait3A_251 = tpu.memref_slice %arg3[%add3A_195] : memref<2097152xf32, #tpu.memory_space<hbm>> -> memref<8192xf32, #tpu.memory_space<hbm>>
    tpu.wait_dma2 semaphore(%arg25 : memref<!tpu.dma_semaphore, #tpu.memory_space<semaphore_mem>>) src(%dma_wait3A_251 : memref<8192xf32, #tpu.memory_space<hbm>>) dst(%arg13 : memref<8192xf32, #tpu.memory_space<vmem>>)
    %dma_wait3A_252 = tpu.memref_slice %arg4[%add3A_195] : memref<2097152xf32, #tpu.memory_space<hbm>> -> memref<8192xf32, #tpu.memory_space<hbm>>
    %dma_wait3A_253 = tpu.memref_slice %arg4[%add3A_195] : memref<2097152xf32, #tpu.memory_space<hbm>> -> memref<8192xf32, #tpu.memory_space<hbm>>
    tpu.wait_dma2 semaphore(%arg25 : memref<!tpu.dma_semaphore, #tpu.memory_space<semaphore_mem>>) src(%dma_wait3A_253 : memref<8192xf32, #tpu.memory_space<hbm>>) dst(%arg14 : memref<8192xf32, #tpu.memory_space<vmem>>)
    %scan3A_254 = arith.constant 0 : i32
    %scan3A_255 = arith.constant 0 : i32
    %scan3A_256 = arith.constant 512 : i32
    %scan3A_257 = arith.addi %scan3A_255, %scan3A_256 : i32
    %scan3A_258 = arith.constant 1 : i32
    %scan3A_259 = scf.for %scan3A_395 = %scan3A_255 to %scan3A_257 step %scan3A_258 iter_args(%scan3A_396 = %scan3A_254) -> (i32)  : i32 {
      %mul3A_397 = arith.constant 16 : i32
      %mul3A_398 = arith.muli %scan3A_395, %mul3A_397 : i32
      %get3A_399 = arith.index_cast %mul3A_398 : i32 to index
      %get3A_400 = tpu.vector_load %arg12[%get3A_399] {strides = array<i32>} : memref<8192xf32, #tpu.memory_space<vmem>>, vector<16xf32>,
      %get3A_401 = vector.shape_cast %get3A_400 : vector<16xf32> to vector<16xf32>
      %sub3A = arith.subf %get3A_401, %get3A_4 : vector<16xf32>
      %mul3A_402 = arith.mulf %sub3A, %get3A_19 : vector<16xf32>
      %get3A_403 = arith.index_cast %mul3A_398 : i32 to index
      %get3A_404 = tpu.vector_load %arg13[%get3A_403] {strides = array<i32>} : memref<8192xf32, #tpu.memory_space<vmem>>, vector<16xf32>,
      %get3A_405 = vector.shape_cast %get3A_404 : vector<16xf32> to vector<16xf32>
      %sub3A_406 = arith.subf %get3A_405, %get3A_9 : vector<16xf32>
      %mul3A_407 = arith.mulf %sub3A_406, %get3A_24 : vector<16xf32>
      %get3A_408 = arith.index_cast %mul3A_398 : i32 to index
      %get3A_409 = tpu.vector_load %arg14[%get3A_408] {strides = array<i32>} : memref<8192xf32, #tpu.memory_space<vmem>>, vector<16xf32>,
      %get3A_410 = vector.shape_cast %get3A_409 : vector<16xf32> to vector<16xf32>
      %sub3A_411 = arith.subf %get3A_410, %get3A_14 : vector<16xf32>
      %mul3A_412 = arith.mulf %sub3A_411, %get3A_29 : vector<16xf32>
      %min3A = arith.minimumf %mul3A_402, %mul3A_407 : vector<16xf32>
      %min3A_413 = arith.minimumf %min3A, %mul3A_412 : vector<16xf32>
      %max3A = arith.maximumf %mul3A_402, %mul3A_407 : vector<16xf32>
      %max3A_414 = arith.maximumf %max3A, %mul3A_412 : vector<16xf32>
      %gt3A = arith.constant 0.000000e+00 : f32
      %gt3A_415 = vector.broadcast %gt3A : f32 to vector<16xf32>
      %gt3A_416 = arith.cmpf ogt, %min3A_413, %gt3A_415 : vector<16xf32>
      %lt3A = arith.constant 1.280000e+02 : f32
      %lt3A_417 = vector.broadcast %lt3A : f32 to vector<16xf32>
      %lt3A_418 = arith.cmpf olt, %max3A_414, %lt3A_417 : vector<16xf32>
      %and3A = arith.andi %gt3A_416, %lt3A_418 : vector<16xi1>
      %convert_element_type3A = arith.fptosi %mul3A_402 : vector<16xf32> to vector<16xi32>
      %convert_element_type3A_419 = arith.fptosi %mul3A_407 : vector<16xf32> to vector<16xi32>
      %convert_element_type3A_420 = arith.fptosi %mul3A_412 : vector<16xf32> to vector<16xi32>
      %mul3A_421 = arith.constant 16384 : i32
      %mul3A_422 = vector.broadcast %mul3A_421 : i32 to vector<16xi32>
      %mul3A_423 = arith.muli %convert_element_type3A, %mul3A_422 : vector<16xi32>
      %mul3A_424 = arith.constant 128 : i32
      %mul3A_425 = vector.broadcast %mul3A_424 : i32 to vector<16xi32>
      %mul3A_426 = arith.muli %convert_element_type3A_419, %mul3A_425 : vector<16xi32>
      %add3A_427 = arith.addi %mul3A_423, %mul3A_426 : vector<16xi32>
      %add3A_428 = arith.addi %add3A_427, %convert_element_type3A_420 : vector<16xi32>
      %jit3A = arith.constant 2097152 : i32
      %broadcast_in_dim3A = vector.broadcast %jit3A : i32 to vector<16xi32>
      %select_n3A = arith.select %and3A, %add3A_428, %broadcast_in_dim3A : vector<16xi1>, vector<16xi32>
      %swap3A = arith.index_cast %mul3A_398 : i32 to index
      %swap3A_429 = tpu.vector_load %arg16[%swap3A] {strides = array<i32>} : memref<8192xi32, #tpu.memory_space<vmem>>, vector<16xi32>,
      %swap3A_430 = vector.shape_cast %swap3A_429 : vector<16xi32> to vector<16xi32>
      %swap3A_431 = vector.shape_cast %select_n3A : vector<16xi32> to vector<16xi32>
      tpu.vector_store %arg16[%swap3A], %swap3A_431 {strides = array<i32>} : memref<8192xi32, #tpu.memory_space<vmem>>, vector<16xi32>,
      %scan3A_432 = arith.constant 0 : i32
      scf.yield %scan3A_432 : i32
    }
    %scan3A_260 = arith.constant 512 : i32
    %dma_start3A_261 = arith.constant 0 : i32
    %dma_start3A_262 = tpu.memref_slice %arg5[%dma_start3A_261] : memref<2162688xi32, #tpu.memory_space<hbm>> -> memref<2162688xi32, #tpu.memory_space<hbm>>
    tpu.enqueue_indirect_dma source(%dma_start3A_262 : memref<2162688xi32, #tpu.memory_space<hbm>>) target(%arg18 : memref<8192xi32, #tpu.memory_space<vmem>>) offsets(%arg16 : memref<8192xi32, #tpu.memory_space<vmem>>) semaphore(%arg27 : memref<!tpu.dma_semaphore, #tpu.memory_space<semaphore_mem>>)
    %dma_wait3A_263 = arith.constant 0 : i32
    %dma_wait3A_264 = tpu.memref_slice %arg5[%dma_wait3A_263] : memref<2162688xi32, #tpu.memory_space<hbm>> -> memref<2162688xi32, #tpu.memory_space<hbm>>
    tpu.wait_indirect_dma semaphore(%arg26 : memref<!tpu.dma_semaphore, #tpu.memory_space<semaphore_mem>>) src(%dma_wait3A_264 : memref<2162688xi32, #tpu.memory_space<hbm>>) dst(%arg17 : memref<8192xi32, #tpu.memory_space<vmem>>)
    %dma_wait3A_265 = tpu.memref_slice %arg7[%add3A_187] : memref<2097152xi32, #tpu.memory_space<hbm>> -> memref<8192xi32, #tpu.memory_space<hbm>>
    %dma_wait3A_266 = tpu.memref_slice %arg7[%add3A_187] : memref<2097152xi32, #tpu.memory_space<hbm>> -> memref<8192xi32, #tpu.memory_space<hbm>>
    tpu.wait_dma2 semaphore(%arg28 : memref<!tpu.dma_semaphore, #tpu.memory_space<semaphore_mem>>) src(%arg19 : memref<8192xi32, #tpu.memory_space<vmem>>) dst(%dma_wait3A_266 : memref<8192xi32, #tpu.memory_space<hbm>>)
    %dma_wait3A_267 = tpu.memref_slice %arg8[%add3A_187] : memref<2097152xi32, #tpu.memory_space<hbm>> -> memref<8192xi32, #tpu.memory_space<hbm>>
    %dma_wait3A_268 = tpu.memref_slice %arg8[%add3A_187] : memref<2097152xi32, #tpu.memory_space<hbm>> -> memref<8192xi32, #tpu.memory_space<hbm>>
    tpu.wait_dma2 semaphore(%arg28 : memref<!tpu.dma_semaphore, #tpu.memory_space<semaphore_mem>>) src(%arg21 : memref<8192xi32, #tpu.memory_space<vmem>>) dst(%dma_wait3A_268 : memref<8192xi32, #tpu.memory_space<hbm>>)
    %scan3A_269 = arith.constant 0 : i32
    %scan3A_270 = arith.constant 0 : i32
    %scan3A_271 = arith.constant 512 : i32
    %scan3A_272 = arith.addi %scan3A_270, %scan3A_271 : i32
    %scan3A_273 = arith.constant 1 : i32
    %scan3A_274 = scf.for %scan3A_395 = %scan3A_270 to %scan3A_272 step %scan3A_273 iter_args(%scan3A_396 = %scan3A_269) -> (i32)  : i32 {
      %mul3A_397 = arith.constant 16 : i32
      %mul3A_398 = arith.muli %scan3A_395, %mul3A_397 : i32
      %get3A_399 = arith.index_cast %mul3A_398 : i32 to index
      %get3A_400 = tpu.vector_load %arg17[%get3A_399] {strides = array<i32>} : memref<8192xi32, #tpu.memory_space<vmem>>, vector<16xi32>,
      %get3A_401 = vector.shape_cast %get3A_400 : vector<16xi32> to vector<16xi32>
      %and3A = arith.constant 2147483647 : i32
      %and3A_402 = vector.broadcast %and3A : i32 to vector<16xi32>
      %and3A_403 = arith.andi %get3A_401, %and3A_402 : vector<16xi32>
      %swap3A = arith.index_cast %mul3A_398 : i32 to index
      %swap3A_404 = tpu.vector_load %arg19[%swap3A] {strides = array<i32>} : memref<8192xi32, #tpu.memory_space<vmem>>, vector<16xi32>,
      %swap3A_405 = vector.shape_cast %swap3A_404 : vector<16xi32> to vector<16xi32>
      %swap3A_406 = vector.shape_cast %and3A_403 : vector<16xi32> to vector<16xi32>
      tpu.vector_store %arg19[%swap3A], %swap3A_406 {strides = array<i32>} : memref<8192xi32, #tpu.memory_space<vmem>>, vector<16xi32>,
      %shift_right_logical3A = arith.constant 31 : i32
      %shift_right_logical3A_407 = vector.broadcast %shift_right_logical3A : i32 to vector<16xi32>
      %shift_right_logical3A_408 = arith.shrui %get3A_401, %shift_right_logical3A_407 : vector<16xi32>
      %swap3A_409 = arith.index_cast %mul3A_398 : i32 to index
      %swap3A_410 = tpu.vector_load %arg21[%swap3A_409] {strides = array<i32>} : memref<8192xi32, #tpu.memory_space<vmem>>, vector<16xi32>,
      %swap3A_411 = vector.shape_cast %swap3A_410 : vector<16xi32> to vector<16xi32>
      %swap3A_412 = vector.shape_cast %shift_right_logical3A_408 : vector<16xi32> to vector<16xi32>
      tpu.vector_store %arg21[%swap3A_409], %swap3A_412 {strides = array<i32>} : memref<8192xi32, #tpu.memory_space<vmem>>, vector<16xi32>,
      %scan3A_413 = arith.constant 0 : i32
      scf.yield %scan3A_413 : i32
    }
    %scan3A_275 = arith.constant 512 : i32
    %mul3A_276 = arith.constant 65536 : i32
    %mul3A_277 = arith.muli %add3A, %mul3A_276 : i32
    %add3A_278 = arith.constant 32768 : i32
    %add3A_279 = arith.addi %mul3A_277, %add3A_278 : i32
    %dma_start3A_280 = tpu.memref_slice %arg7[%add3A_279] : memref<2097152xi32, #tpu.memory_space<hbm>> -> memref<8192xi32, #tpu.memory_space<hbm>>
    %dma_start3A_281 = tpu.memref_slice %arg7[%add3A_279] : memref<2097152xi32, #tpu.memory_space<hbm>> -> memref<8192xi32, #tpu.memory_space<hbm>>
    tpu.enqueue_dma source(%arg19 : memref<8192xi32, #tpu.memory_space<vmem>>) target(%dma_start3A_281 : memref<8192xi32, #tpu.memory_space<hbm>>) target_semaphore(%arg28 : memref<!tpu.dma_semaphore, #tpu.memory_space<semaphore_mem>>)
    %dma_start3A_282 = tpu.memref_slice %arg8[%add3A_279] : memref<2097152xi32, #tpu.memory_space<hbm>> -> memref<8192xi32, #tpu.memory_space<hbm>>
    %dma_start3A_283 = tpu.memref_slice %arg8[%add3A_279] : memref<2097152xi32, #tpu.memory_space<hbm>> -> memref<8192xi32, #tpu.memory_space<hbm>>
    tpu.enqueue_dma source(%arg21 : memref<8192xi32, #tpu.memory_space<vmem>>) target(%dma_start3A_283 : memref<8192xi32, #tpu.memory_space<hbm>>) target_semaphore(%arg28 : memref<!tpu.dma_semaphore, #tpu.memory_space<semaphore_mem>>)
    %mul3A_284 = arith.constant 65536 : i32
    %mul3A_285 = arith.muli %add3A, %mul3A_284 : i32
    %add3A_286 = arith.constant 57344 : i32
    %add3A_287 = arith.addi %mul3A_285, %add3A_286 : i32
    %dma_start3A_288 = tpu.memref_slice %arg2[%add3A_287] : memref<2097152xf32, #tpu.memory_space<hbm>> -> memref<8192xf32, #tpu.memory_space<hbm>>
    %dma_start3A_289 = tpu.memref_slice %arg2[%add3A_287] : memref<2097152xf32, #tpu.memory_space<hbm>> -> memref<8192xf32, #tpu.memory_space<hbm>>
    tpu.enqueue_dma source(%dma_start3A_289 : memref<8192xf32, #tpu.memory_space<hbm>>) target(%arg12 : memref<8192xf32, #tpu.memory_space<vmem>>) target_semaphore(%arg25 : memref<!tpu.dma_semaphore, #tpu.memory_space<semaphore_mem>>)
    %dma_start3A_290 = tpu.memref_slice %arg3[%add3A_287] : memref<2097152xf32, #tpu.memory_space<hbm>> -> memref<8192xf32, #tpu.memory_space<hbm>>
    %dma_start3A_291 = tpu.memref_slice %arg3[%add3A_287] : memref<2097152xf32, #tpu.memory_space<hbm>> -> memref<8192xf32, #tpu.memory_space<hbm>>
    tpu.enqueue_dma source(%dma_start3A_291 : memref<8192xf32, #tpu.memory_space<hbm>>) target(%arg13 : memref<8192xf32, #tpu.memory_space<vmem>>) target_semaphore(%arg25 : memref<!tpu.dma_semaphore, #tpu.memory_space<semaphore_mem>>)
    %dma_start3A_292 = tpu.memref_slice %arg4[%add3A_287] : memref<2097152xf32, #tpu.memory_space<hbm>> -> memref<8192xf32, #tpu.memory_space<hbm>>
    %dma_start3A_293 = tpu.memref_slice %arg4[%add3A_287] : memref<2097152xf32, #tpu.memory_space<hbm>> -> memref<8192xf32, #tpu.memory_space<hbm>>
    tpu.enqueue_dma source(%dma_start3A_293 : memref<8192xf32, #tpu.memory_space<hbm>>) target(%arg14 : memref<8192xf32, #tpu.memory_space<vmem>>) target_semaphore(%arg25 : memref<!tpu.dma_semaphore, #tpu.memory_space<semaphore_mem>>)
    %dma_wait3A_294 = tpu.memref_slice %arg2[%add3A_241] : memref<2097152xf32, #tpu.memory_space<hbm>> -> memref<8192xf32, #tpu.memory_space<hbm>>
    %dma_wait3A_295 = tpu.memref_slice %arg2[%add3A_241] : memref<2097152xf32, #tpu.memory_space<hbm>> -> memref<8192xf32, #tpu.memory_space<hbm>>
    tpu.wait_dma2 semaphore(%arg24 : memref<!tpu.dma_semaphore, #tpu.memory_space<semaphore_mem>>) src(%dma_wait3A_295 : memref<8192xf32, #tpu.memory_space<hbm>>) dst(%arg9 : memref<8192xf32, #tpu.memory_space<vmem>>)
    %dma_wait3A_296 = tpu.memref_slice %arg3[%add3A_241] : memref<2097152xf32, #tpu.memory_space<hbm>> -> memref<8192xf32, #tpu.memory_space<hbm>>
    %dma_wait3A_297 = tpu.memref_slice %arg3[%add3A_241] : memref<2097152xf32, #tpu.memory_space<hbm>> -> memref<8192xf32, #tpu.memory_space<hbm>>
    tpu.wait_dma2 semaphore(%arg24 : memref<!tpu.dma_semaphore, #tpu.memory_space<semaphore_mem>>) src(%dma_wait3A_297 : memref<8192xf32, #tpu.memory_space<hbm>>) dst(%arg10 : memref<8192xf32, #tpu.memory_space<vmem>>)
    %dma_wait3A_298 = tpu.memref_slice %arg4[%add3A_241] : memref<2097152xf32, #tpu.memory_space<hbm>> -> memref<8192xf32, #tpu.memory_space<hbm>>
    %dma_wait3A_299 = tpu.memref_slice %arg4[%add3A_241] : memref<2097152xf32, #tpu.memory_space<hbm>> -> memref<8192xf32, #tpu.memory_space<hbm>>
    tpu.wait_dma2 semaphore(%arg24 : memref<!tpu.dma_semaphore, #tpu.memory_space<semaphore_mem>>) src(%dma_wait3A_299 : memref<8192xf32, #tpu.memory_space<hbm>>) dst(%arg11 : memref<8192xf32, #tpu.memory_space<vmem>>)
    %scan3A_300 = arith.constant 0 : i32
    %scan3A_301 = arith.constant 0 : i32
    %scan3A_302 = arith.constant 512 : i32
    %scan3A_303 = arith.addi %scan3A_301, %scan3A_302 : i32
    %scan3A_304 = arith.constant 1 : i32
    %scan3A_305 = scf.for %scan3A_395 = %scan3A_301 to %scan3A_303 step %scan3A_304 iter_args(%scan3A_396 = %scan3A_300) -> (i32)  : i32 {
      %mul3A_397 = arith.constant 16 : i32
      %mul3A_398 = arith.muli %scan3A_395, %mul3A_397 : i32
      %get3A_399 = arith.index_cast %mul3A_398 : i32 to index
      %get3A_400 = tpu.vector_load %arg9[%get3A_399] {strides = array<i32>} : memref<8192xf32, #tpu.memory_space<vmem>>, vector<16xf32>,
      %get3A_401 = vector.shape_cast %get3A_400 : vector<16xf32> to vector<16xf32>
      %sub3A = arith.subf %get3A_401, %get3A_4 : vector<16xf32>
      %mul3A_402 = arith.mulf %sub3A, %get3A_19 : vector<16xf32>
      %get3A_403 = arith.index_cast %mul3A_398 : i32 to index
      %get3A_404 = tpu.vector_load %arg10[%get3A_403] {strides = array<i32>} : memref<8192xf32, #tpu.memory_space<vmem>>, vector<16xf32>,
      %get3A_405 = vector.shape_cast %get3A_404 : vector<16xf32> to vector<16xf32>
      %sub3A_406 = arith.subf %get3A_405, %get3A_9 : vector<16xf32>
      %mul3A_407 = arith.mulf %sub3A_406, %get3A_24 : vector<16xf32>
      %get3A_408 = arith.index_cast %mul3A_398 : i32 to index
      %get3A_409 = tpu.vector_load %arg11[%get3A_408] {strides = array<i32>} : memref<8192xf32, #tpu.memory_space<vmem>>, vector<16xf32>,
      %get3A_410 = vector.shape_cast %get3A_409 : vector<16xf32> to vector<16xf32>
      %sub3A_411 = arith.subf %get3A_410, %get3A_14 : vector<16xf32>
      %mul3A_412 = arith.mulf %sub3A_411, %get3A_29 : vector<16xf32>
      %min3A = arith.minimumf %mul3A_402, %mul3A_407 : vector<16xf32>
      %min3A_413 = arith.minimumf %min3A, %mul3A_412 : vector<16xf32>
      %max3A = arith.maximumf %mul3A_402, %mul3A_407 : vector<16xf32>
      %max3A_414 = arith.maximumf %max3A, %mul3A_412 : vector<16xf32>
      %gt3A = arith.constant 0.000000e+00 : f32
      %gt3A_415 = vector.broadcast %gt3A : f32 to vector<16xf32>
      %gt3A_416 = arith.cmpf ogt, %min3A_413, %gt3A_415 : vector<16xf32>
      %lt3A = arith.constant 1.280000e+02 : f32
      %lt3A_417 = vector.broadcast %lt3A : f32 to vector<16xf32>
      %lt3A_418 = arith.cmpf olt, %max3A_414, %lt3A_417 : vector<16xf32>
      %and3A = arith.andi %gt3A_416, %lt3A_418 : vector<16xi1>
      %convert_element_type3A = arith.fptosi %mul3A_402 : vector<16xf32> to vector<16xi32>
      %convert_element_type3A_419 = arith.fptosi %mul3A_407 : vector<16xf32> to vector<16xi32>
      %convert_element_type3A_420 = arith.fptosi %mul3A_412 : vector<16xf32> to vector<16xi32>
      %mul3A_421 = arith.constant 16384 : i32
      %mul3A_422 = vector.broadcast %mul3A_421 : i32 to vector<16xi32>
      %mul3A_423 = arith.muli %convert_element_type3A, %mul3A_422 : vector<16xi32>
      %mul3A_424 = arith.constant 128 : i32
      %mul3A_425 = vector.broadcast %mul3A_424 : i32 to vector<16xi32>
      %mul3A_426 = arith.muli %convert_element_type3A_419, %mul3A_425 : vector<16xi32>
      %add3A_427 = arith.addi %mul3A_423, %mul3A_426 : vector<16xi32>
      %add3A_428 = arith.addi %add3A_427, %convert_element_type3A_420 : vector<16xi32>
      %jit3A = arith.constant 2097152 : i32
      %broadcast_in_dim3A = vector.broadcast %jit3A : i32 to vector<16xi32>
      %select_n3A = arith.select %and3A, %add3A_428, %broadcast_in_dim3A : vector<16xi1>, vector<16xi32>
      %swap3A = arith.index_cast %mul3A_398 : i32 to index
      %swap3A_429 = tpu.vector_load %arg15[%swap3A] {strides = array<i32>} : memref<8192xi32, #tpu.memory_space<vmem>>, vector<16xi32>,
      %swap3A_430 = vector.shape_cast %swap3A_429 : vector<16xi32> to vector<16xi32>
      %swap3A_431 = vector.shape_cast %select_n3A : vector<16xi32> to vector<16xi32>
      tpu.vector_store %arg15[%swap3A], %swap3A_431 {strides = array<i32>} : memref<8192xi32, #tpu.memory_space<vmem>>, vector<16xi32>,
      %scan3A_432 = arith.constant 0 : i32
      scf.yield %scan3A_432 : i32
    }
    %scan3A_306 = arith.constant 512 : i32
    %dma_start3A_307 = arith.constant 0 : i32
    %dma_start3A_308 = tpu.memref_slice %arg5[%dma_start3A_307] : memref<2162688xi32, #tpu.memory_space<hbm>> -> memref<2162688xi32, #tpu.memory_space<hbm>>
    tpu.enqueue_indirect_dma source(%dma_start3A_308 : memref<2162688xi32, #tpu.memory_space<hbm>>) target(%arg17 : memref<8192xi32, #tpu.memory_space<vmem>>) offsets(%arg15 : memref<8192xi32, #tpu.memory_space<vmem>>) semaphore(%arg26 : memref<!tpu.dma_semaphore, #tpu.memory_space<semaphore_mem>>)
    %dma_wait3A_309 = arith.constant 0 : i32
    %dma_wait3A_310 = tpu.memref_slice %arg5[%dma_wait3A_309] : memref<2162688xi32, #tpu.memory_space<hbm>> -> memref<2162688xi32, #tpu.memory_space<hbm>>
    tpu.wait_indirect_dma semaphore(%arg27 : memref<!tpu.dma_semaphore, #tpu.memory_space<semaphore_mem>>) src(%dma_wait3A_310 : memref<2162688xi32, #tpu.memory_space<hbm>>) dst(%arg18 : memref<8192xi32, #tpu.memory_space<vmem>>)
    %dma_wait3A_311 = tpu.memref_slice %arg7[%add3A_233] : memref<2097152xi32, #tpu.memory_space<hbm>> -> memref<8192xi32, #tpu.memory_space<hbm>>
    %dma_wait3A_312 = tpu.memref_slice %arg7[%add3A_233] : memref<2097152xi32, #tpu.memory_space<hbm>> -> memref<8192xi32, #tpu.memory_space<hbm>>
    tpu.wait_dma2 semaphore(%arg29 : memref<!tpu.dma_semaphore, #tpu.memory_space<semaphore_mem>>) src(%arg20 : memref<8192xi32, #tpu.memory_space<vmem>>) dst(%dma_wait3A_312 : memref<8192xi32, #tpu.memory_space<hbm>>)
    %dma_wait3A_313 = tpu.memref_slice %arg8[%add3A_233] : memref<2097152xi32, #tpu.memory_space<hbm>> -> memref<8192xi32, #tpu.memory_space<hbm>>
    %dma_wait3A_314 = tpu.memref_slice %arg8[%add3A_233] : memref<2097152xi32, #tpu.memory_space<hbm>> -> memref<8192xi32, #tpu.memory_space<hbm>>
    tpu.wait_dma2 semaphore(%arg29 : memref<!tpu.dma_semaphore, #tpu.memory_space<semaphore_mem>>) src(%arg22 : memref<8192xi32, #tpu.memory_space<vmem>>) dst(%dma_wait3A_314 : memref<8192xi32, #tpu.memory_space<hbm>>)
    %scan3A_315 = arith.constant 0 : i32
    %scan3A_316 = arith.constant 0 : i32
    %scan3A_317 = arith.constant 512 : i32
    %scan3A_318 = arith.addi %scan3A_316, %scan3A_317 : i32
    %scan3A_319 = arith.constant 1 : i32
    %scan3A_320 = scf.for %scan3A_395 = %scan3A_316 to %scan3A_318 step %scan3A_319 iter_args(%scan3A_396 = %scan3A_315) -> (i32)  : i32 {
      %mul3A_397 = arith.constant 16 : i32
      %mul3A_398 = arith.muli %scan3A_395, %mul3A_397 : i32
      %get3A_399 = arith.index_cast %mul3A_398 : i32 to index
      %get3A_400 = tpu.vector_load %arg18[%get3A_399] {strides = array<i32>} : memref<8192xi32, #tpu.memory_space<vmem>>, vector<16xi32>,
      %get3A_401 = vector.shape_cast %get3A_400 : vector<16xi32> to vector<16xi32>
      %and3A = arith.constant 2147483647 : i32
      %and3A_402 = vector.broadcast %and3A : i32 to vector<16xi32>
      %and3A_403 = arith.andi %get3A_401, %and3A_402 : vector<16xi32>
      %swap3A = arith.index_cast %mul3A_398 : i32 to index
      %swap3A_404 = tpu.vector_load %arg20[%swap3A] {strides = array<i32>} : memref<8192xi32, #tpu.memory_space<vmem>>, vector<16xi32>,
      %swap3A_405 = vector.shape_cast %swap3A_404 : vector<16xi32> to vector<16xi32>
      %swap3A_406 = vector.shape_cast %and3A_403 : vector<16xi32> to vector<16xi32>
      tpu.vector_store %arg20[%swap3A], %swap3A_406 {strides = array<i32>} : memref<8192xi32, #tpu.memory_space<vmem>>, vector<16xi32>,
      %shift_right_logical3A = arith.constant 31 : i32
      %shift_right_logical3A_407 = vector.broadcast %shift_right_logical3A : i32 to vector<16xi32>
      %shift_right_logical3A_408 = arith.shrui %get3A_401, %shift_right_logical3A_407 : vector<16xi32>
      %swap3A_409 = arith.index_cast %mul3A_398 : i32 to index
      %swap3A_410 = tpu.vector_load %arg22[%swap3A_409] {strides = array<i32>} : memref<8192xi32, #tpu.memory_space<vmem>>, vector<16xi32>,
      %swap3A_411 = vector.shape_cast %swap3A_410 : vector<16xi32> to vector<16xi32>
      %swap3A_412 = vector.shape_cast %shift_right_logical3A_408 : vector<16xi32> to vector<16xi32>
      tpu.vector_store %arg22[%swap3A_409], %swap3A_412 {strides = array<i32>} : memref<8192xi32, #tpu.memory_space<vmem>>, vector<16xi32>,
      %scan3A_413 = arith.constant 0 : i32
      scf.yield %scan3A_413 : i32
    }
    %scan3A_321 = arith.constant 512 : i32
    %mul3A_322 = arith.constant 65536 : i32
    %mul3A_323 = arith.muli %add3A, %mul3A_322 : i32
    %add3A_324 = arith.constant 40960 : i32
    %add3A_325 = arith.addi %mul3A_323, %add3A_324 : i32
    %dma_start3A_326 = tpu.memref_slice %arg7[%add3A_325] : memref<2097152xi32, #tpu.memory_space<hbm>> -> memref<8192xi32, #tpu.memory_space<hbm>>
    %dma_start3A_327 = tpu.memref_slice %arg7[%add3A_325] : memref<2097152xi32, #tpu.memory_space<hbm>> -> memref<8192xi32, #tpu.memory_space<hbm>>
    tpu.enqueue_dma source(%arg20 : memref<8192xi32, #tpu.memory_space<vmem>>) target(%dma_start3A_327 : memref<8192xi32, #tpu.memory_space<hbm>>) target_semaphore(%arg29 : memref<!tpu.dma_semaphore, #tpu.memory_space<semaphore_mem>>)
    %dma_start3A_328 = tpu.memref_slice %arg8[%add3A_325] : memref<2097152xi32, #tpu.memory_space<hbm>> -> memref<8192xi32, #tpu.memory_space<hbm>>
    %dma_start3A_329 = tpu.memref_slice %arg8[%add3A_325] : memref<2097152xi32, #tpu.memory_space<hbm>> -> memref<8192xi32, #tpu.memory_space<hbm>>
    tpu.enqueue_dma source(%arg22 : memref<8192xi32, #tpu.memory_space<vmem>>) target(%dma_start3A_329 : memref<8192xi32, #tpu.memory_space<hbm>>) target_semaphore(%arg29 : memref<!tpu.dma_semaphore, #tpu.memory_space<semaphore_mem>>)
    %dma_wait3A_330 = tpu.memref_slice %arg2[%add3A_287] : memref<2097152xf32, #tpu.memory_space<hbm>> -> memref<8192xf32, #tpu.memory_space<hbm>>
    %dma_wait3A_331 = tpu.memref_slice %arg2[%add3A_287] : memref<2097152xf32, #tpu.memory_space<hbm>> -> memref<8192xf32, #tpu.memory_space<hbm>>
    tpu.wait_dma2 semaphore(%arg25 : memref<!tpu.dma_semaphore, #tpu.memory_space<semaphore_mem>>) src(%dma_wait3A_331 : memref<8192xf32, #tpu.memory_space<hbm>>) dst(%arg12 : memref<8192xf32, #tpu.memory_space<vmem>>)
    %dma_wait3A_332 = tpu.memref_slice %arg3[%add3A_287] : memref<2097152xf32, #tpu.memory_space<hbm>> -> memref<8192xf32, #tpu.memory_space<hbm>>
    %dma_wait3A_333 = tpu.memref_slice %arg3[%add3A_287] : memref<2097152xf32, #tpu.memory_space<hbm>> -> memref<8192xf32, #tpu.memory_space<hbm>>
    tpu.wait_dma2 semaphore(%arg25 : memref<!tpu.dma_semaphore, #tpu.memory_space<semaphore_mem>>) src(%dma_wait3A_333 : memref<8192xf32, #tpu.memory_space<hbm>>) dst(%arg13 : memref<8192xf32, #tpu.memory_space<vmem>>)
    %dma_wait3A_334 = tpu.memref_slice %arg4[%add3A_287] : memref<2097152xf32, #tpu.memory_space<hbm>> -> memref<8192xf32, #tpu.memory_space<hbm>>
    %dma_wait3A_335 = tpu.memref_slice %arg4[%add3A_287] : memref<2097152xf32, #tpu.memory_space<hbm>> -> memref<8192xf32, #tpu.memory_space<hbm>>
    tpu.wait_dma2 semaphore(%arg25 : memref<!tpu.dma_semaphore, #tpu.memory_space<semaphore_mem>>) src(%dma_wait3A_335 : memref<8192xf32, #tpu.memory_space<hbm>>) dst(%arg14 : memref<8192xf32, #tpu.memory_space<vmem>>)
    %scan3A_336 = arith.constant 0 : i32
    %scan3A_337 = arith.constant 0 : i32
    %scan3A_338 = arith.constant 512 : i32
    %scan3A_339 = arith.addi %scan3A_337, %scan3A_338 : i32
    %scan3A_340 = arith.constant 1 : i32
    %scan3A_341 = scf.for %scan3A_395 = %scan3A_337 to %scan3A_339 step %scan3A_340 iter_args(%scan3A_396 = %scan3A_336) -> (i32)  : i32 {
      %mul3A_397 = arith.constant 16 : i32
      %mul3A_398 = arith.muli %scan3A_395, %mul3A_397 : i32
      %get3A_399 = arith.index_cast %mul3A_398 : i32 to index
      %get3A_400 = tpu.vector_load %arg12[%get3A_399] {strides = array<i32>} : memref<8192xf32, #tpu.memory_space<vmem>>, vector<16xf32>,
      %get3A_401 = vector.shape_cast %get3A_400 : vector<16xf32> to vector<16xf32>
      %sub3A = arith.subf %get3A_401, %get3A_4 : vector<16xf32>
      %mul3A_402 = arith.mulf %sub3A, %get3A_19 : vector<16xf32>
      %get3A_403 = arith.index_cast %mul3A_398 : i32 to index
      %get3A_404 = tpu.vector_load %arg13[%get3A_403] {strides = array<i32>} : memref<8192xf32, #tpu.memory_space<vmem>>, vector<16xf32>,
      %get3A_405 = vector.shape_cast %get3A_404 : vector<16xf32> to vector<16xf32>
      %sub3A_406 = arith.subf %get3A_405, %get3A_9 : vector<16xf32>
      %mul3A_407 = arith.mulf %sub3A_406, %get3A_24 : vector<16xf32>
      %get3A_408 = arith.index_cast %mul3A_398 : i32 to index
      %get3A_409 = tpu.vector_load %arg14[%get3A_408] {strides = array<i32>} : memref<8192xf32, #tpu.memory_space<vmem>>, vector<16xf32>,
      %get3A_410 = vector.shape_cast %get3A_409 : vector<16xf32> to vector<16xf32>
      %sub3A_411 = arith.subf %get3A_410, %get3A_14 : vector<16xf32>
      %mul3A_412 = arith.mulf %sub3A_411, %get3A_29 : vector<16xf32>
      %min3A = arith.minimumf %mul3A_402, %mul3A_407 : vector<16xf32>
      %min3A_413 = arith.minimumf %min3A, %mul3A_412 : vector<16xf32>
      %max3A = arith.maximumf %mul3A_402, %mul3A_407 : vector<16xf32>
      %max3A_414 = arith.maximumf %max3A, %mul3A_412 : vector<16xf32>
      %gt3A = arith.constant 0.000000e+00 : f32
      %gt3A_415 = vector.broadcast %gt3A : f32 to vector<16xf32>
      %gt3A_416 = arith.cmpf ogt, %min3A_413, %gt3A_415 : vector<16xf32>
      %lt3A = arith.constant 1.280000e+02 : f32
      %lt3A_417 = vector.broadcast %lt3A : f32 to vector<16xf32>
      %lt3A_418 = arith.cmpf olt, %max3A_414, %lt3A_417 : vector<16xf32>
      %and3A = arith.andi %gt3A_416, %lt3A_418 : vector<16xi1>
      %convert_element_type3A = arith.fptosi %mul3A_402 : vector<16xf32> to vector<16xi32>
      %convert_element_type3A_419 = arith.fptosi %mul3A_407 : vector<16xf32> to vector<16xi32>
      %convert_element_type3A_420 = arith.fptosi %mul3A_412 : vector<16xf32> to vector<16xi32>
      %mul3A_421 = arith.constant 16384 : i32
      %mul3A_422 = vector.broadcast %mul3A_421 : i32 to vector<16xi32>
      %mul3A_423 = arith.muli %convert_element_type3A, %mul3A_422 : vector<16xi32>
      %mul3A_424 = arith.constant 128 : i32
      %mul3A_425 = vector.broadcast %mul3A_424 : i32 to vector<16xi32>
      %mul3A_426 = arith.muli %convert_element_type3A_419, %mul3A_425 : vector<16xi32>
      %add3A_427 = arith.addi %mul3A_423, %mul3A_426 : vector<16xi32>
      %add3A_428 = arith.addi %add3A_427, %convert_element_type3A_420 : vector<16xi32>
      %jit3A = arith.constant 2097152 : i32
      %broadcast_in_dim3A = vector.broadcast %jit3A : i32 to vector<16xi32>
      %select_n3A = arith.select %and3A, %add3A_428, %broadcast_in_dim3A : vector<16xi1>, vector<16xi32>
      %swap3A = arith.index_cast %mul3A_398 : i32 to index
      %swap3A_429 = tpu.vector_load %arg16[%swap3A] {strides = array<i32>} : memref<8192xi32, #tpu.memory_space<vmem>>, vector<16xi32>,
      %swap3A_430 = vector.shape_cast %swap3A_429 : vector<16xi32> to vector<16xi32>
      %swap3A_431 = vector.shape_cast %select_n3A : vector<16xi32> to vector<16xi32>
      tpu.vector_store %arg16[%swap3A], %swap3A_431 {strides = array<i32>} : memref<8192xi32, #tpu.memory_space<vmem>>, vector<16xi32>,
      %scan3A_432 = arith.constant 0 : i32
      scf.yield %scan3A_432 : i32
    }
    %scan3A_342 = arith.constant 512 : i32
    %dma_start3A_343 = arith.constant 0 : i32
    %dma_start3A_344 = tpu.memref_slice %arg5[%dma_start3A_343] : memref<2162688xi32, #tpu.memory_space<hbm>> -> memref<2162688xi32, #tpu.memory_space<hbm>>
    tpu.enqueue_indirect_dma source(%dma_start3A_344 : memref<2162688xi32, #tpu.memory_space<hbm>>) target(%arg18 : memref<8192xi32, #tpu.memory_space<vmem>>) offsets(%arg16 : memref<8192xi32, #tpu.memory_space<vmem>>) semaphore(%arg27 : memref<!tpu.dma_semaphore, #tpu.memory_space<semaphore_mem>>)
    %dma_wait3A_345 = arith.constant 0 : i32
    %dma_wait3A_346 = tpu.memref_slice %arg5[%dma_wait3A_345] : memref<2162688xi32, #tpu.memory_space<hbm>> -> memref<2162688xi32, #tpu.memory_space<hbm>>
    tpu.wait_indirect_dma semaphore(%arg26 : memref<!tpu.dma_semaphore, #tpu.memory_space<semaphore_mem>>) src(%dma_wait3A_346 : memref<2162688xi32, #tpu.memory_space<hbm>>) dst(%arg17 : memref<8192xi32, #tpu.memory_space<vmem>>)
    %dma_wait3A_347 = tpu.memref_slice %arg7[%add3A_279] : memref<2097152xi32, #tpu.memory_space<hbm>> -> memref<8192xi32, #tpu.memory_space<hbm>>
    %dma_wait3A_348 = tpu.memref_slice %arg7[%add3A_279] : memref<2097152xi32, #tpu.memory_space<hbm>> -> memref<8192xi32, #tpu.memory_space<hbm>>
    tpu.wait_dma2 semaphore(%arg28 : memref<!tpu.dma_semaphore, #tpu.memory_space<semaphore_mem>>) src(%arg19 : memref<8192xi32, #tpu.memory_space<vmem>>) dst(%dma_wait3A_348 : memref<8192xi32, #tpu.memory_space<hbm>>)
    %dma_wait3A_349 = tpu.memref_slice %arg8[%add3A_279] : memref<2097152xi32, #tpu.memory_space<hbm>> -> memref<8192xi32, #tpu.memory_space<hbm>>
    %dma_wait3A_350 = tpu.memref_slice %arg8[%add3A_279] : memref<2097152xi32, #tpu.memory_space<hbm>> -> memref<8192xi32, #tpu.memory_space<hbm>>
    tpu.wait_dma2 semaphore(%arg28 : memref<!tpu.dma_semaphore, #tpu.memory_space<semaphore_mem>>) src(%arg21 : memref<8192xi32, #tpu.memory_space<vmem>>) dst(%dma_wait3A_350 : memref<8192xi32, #tpu.memory_space<hbm>>)
    %scan3A_351 = arith.constant 0 : i32
    %scan3A_352 = arith.constant 0 : i32
    %scan3A_353 = arith.constant 512 : i32
    %scan3A_354 = arith.addi %scan3A_352, %scan3A_353 : i32
    %scan3A_355 = arith.constant 1 : i32
    %scan3A_356 = scf.for %scan3A_395 = %scan3A_352 to %scan3A_354 step %scan3A_355 iter_args(%scan3A_396 = %scan3A_351) -> (i32)  : i32 {
      %mul3A_397 = arith.constant 16 : i32
      %mul3A_398 = arith.muli %scan3A_395, %mul3A_397 : i32
      %get3A_399 = arith.index_cast %mul3A_398 : i32 to index
      %get3A_400 = tpu.vector_load %arg17[%get3A_399] {strides = array<i32>} : memref<8192xi32, #tpu.memory_space<vmem>>, vector<16xi32>,
      %get3A_401 = vector.shape_cast %get3A_400 : vector<16xi32> to vector<16xi32>
      %and3A = arith.constant 2147483647 : i32
      %and3A_402 = vector.broadcast %and3A : i32 to vector<16xi32>
      %and3A_403 = arith.andi %get3A_401, %and3A_402 : vector<16xi32>
      %swap3A = arith.index_cast %mul3A_398 : i32 to index
      %swap3A_404 = tpu.vector_load %arg19[%swap3A] {strides = array<i32>} : memref<8192xi32, #tpu.memory_space<vmem>>, vector<16xi32>,
      %swap3A_405 = vector.shape_cast %swap3A_404 : vector<16xi32> to vector<16xi32>
      %swap3A_406 = vector.shape_cast %and3A_403 : vector<16xi32> to vector<16xi32>
      tpu.vector_store %arg19[%swap3A], %swap3A_406 {strides = array<i32>} : memref<8192xi32, #tpu.memory_space<vmem>>, vector<16xi32>,
      %shift_right_logical3A = arith.constant 31 : i32
      %shift_right_logical3A_407 = vector.broadcast %shift_right_logical3A : i32 to vector<16xi32>
      %shift_right_logical3A_408 = arith.shrui %get3A_401, %shift_right_logical3A_407 : vector<16xi32>
      %swap3A_409 = arith.index_cast %mul3A_398 : i32 to index
      %swap3A_410 = tpu.vector_load %arg21[%swap3A_409] {strides = array<i32>} : memref<8192xi32, #tpu.memory_space<vmem>>, vector<16xi32>,
      %swap3A_411 = vector.shape_cast %swap3A_410 : vector<16xi32> to vector<16xi32>
      %swap3A_412 = vector.shape_cast %shift_right_logical3A_408 : vector<16xi32> to vector<16xi32>
      tpu.vector_store %arg21[%swap3A_409], %swap3A_412 {strides = array<i32>} : memref<8192xi32, #tpu.memory_space<vmem>>, vector<16xi32>,
      %scan3A_413 = arith.constant 0 : i32
      scf.yield %scan3A_413 : i32
    }
    %scan3A_357 = arith.constant 512 : i32
    %mul3A_358 = arith.constant 65536 : i32
    %mul3A_359 = arith.muli %add3A, %mul3A_358 : i32
    %add3A_360 = arith.constant 49152 : i32
    %add3A_361 = arith.addi %mul3A_359, %add3A_360 : i32
    %dma_start3A_362 = tpu.memref_slice %arg7[%add3A_361] : memref<2097152xi32, #tpu.memory_space<hbm>> -> memref<8192xi32, #tpu.memory_space<hbm>>
    %dma_start3A_363 = tpu.memref_slice %arg7[%add3A_361] : memref<2097152xi32, #tpu.memory_space<hbm>> -> memref<8192xi32, #tpu.memory_space<hbm>>
    tpu.enqueue_dma source(%arg19 : memref<8192xi32, #tpu.memory_space<vmem>>) target(%dma_start3A_363 : memref<8192xi32, #tpu.memory_space<hbm>>) target_semaphore(%arg28 : memref<!tpu.dma_semaphore, #tpu.memory_space<semaphore_mem>>)
    %dma_start3A_364 = tpu.memref_slice %arg8[%add3A_361] : memref<2097152xi32, #tpu.memory_space<hbm>> -> memref<8192xi32, #tpu.memory_space<hbm>>
    %dma_start3A_365 = tpu.memref_slice %arg8[%add3A_361] : memref<2097152xi32, #tpu.memory_space<hbm>> -> memref<8192xi32, #tpu.memory_space<hbm>>
    tpu.enqueue_dma source(%arg21 : memref<8192xi32, #tpu.memory_space<vmem>>) target(%dma_start3A_365 : memref<8192xi32, #tpu.memory_space<hbm>>) target_semaphore(%arg28 : memref<!tpu.dma_semaphore, #tpu.memory_space<semaphore_mem>>)
    %dma_wait3A_366 = arith.constant 0 : i32
    %dma_wait3A_367 = tpu.memref_slice %arg5[%dma_wait3A_366] : memref<2162688xi32, #tpu.memory_space<hbm>> -> memref<2162688xi32, #tpu.memory_space<hbm>>
    tpu.wait_indirect_dma semaphore(%arg27 : memref<!tpu.dma_semaphore, #tpu.memory_space<semaphore_mem>>) src(%dma_wait3A_367 : memref<2162688xi32, #tpu.memory_space<hbm>>) dst(%arg18 : memref<8192xi32, #tpu.memory_space<vmem>>)
    %dma_wait3A_368 = tpu.memref_slice %arg7[%add3A_325] : memref<2097152xi32, #tpu.memory_space<hbm>> -> memref<8192xi32, #tpu.memory_space<hbm>>
    %dma_wait3A_369 = tpu.memref_slice %arg7[%add3A_325] : memref<2097152xi32, #tpu.memory_space<hbm>> -> memref<8192xi32, #tpu.memory_space<hbm>>
    tpu.wait_dma2 semaphore(%arg29 : memref<!tpu.dma_semaphore, #tpu.memory_space<semaphore_mem>>) src(%arg20 : memref<8192xi32, #tpu.memory_space<vmem>>) dst(%dma_wait3A_369 : memref<8192xi32, #tpu.memory_space<hbm>>)
    %dma_wait3A_370 = tpu.memref_slice %arg8[%add3A_325] : memref<2097152xi32, #tpu.memory_space<hbm>> -> memref<8192xi32, #tpu.memory_space<hbm>>
    %dma_wait3A_371 = tpu.memref_slice %arg8[%add3A_325] : memref<2097152xi32, #tpu.memory_space<hbm>> -> memref<8192xi32, #tpu.memory_space<hbm>>
    tpu.wait_dma2 semaphore(%arg29 : memref<!tpu.dma_semaphore, #tpu.memory_space<semaphore_mem>>) src(%arg22 : memref<8192xi32, #tpu.memory_space<vmem>>) dst(%dma_wait3A_371 : memref<8192xi32, #tpu.memory_space<hbm>>)
    %scan3A_372 = arith.constant 0 : i32
    %scan3A_373 = arith.constant 0 : i32
    %scan3A_374 = arith.constant 512 : i32
    %scan3A_375 = arith.addi %scan3A_373, %scan3A_374 : i32
    %scan3A_376 = arith.constant 1 : i32
    %scan3A_377 = scf.for %scan3A_395 = %scan3A_373 to %scan3A_375 step %scan3A_376 iter_args(%scan3A_396 = %scan3A_372) -> (i32)  : i32 {
      %mul3A_397 = arith.constant 16 : i32
      %mul3A_398 = arith.muli %scan3A_395, %mul3A_397 : i32
      %get3A_399 = arith.index_cast %mul3A_398 : i32 to index
      %get3A_400 = tpu.vector_load %arg18[%get3A_399] {strides = array<i32>} : memref<8192xi32, #tpu.memory_space<vmem>>, vector<16xi32>,
      %get3A_401 = vector.shape_cast %get3A_400 : vector<16xi32> to vector<16xi32>
      %and3A = arith.constant 2147483647 : i32
      %and3A_402 = vector.broadcast %and3A : i32 to vector<16xi32>
      %and3A_403 = arith.andi %get3A_401, %and3A_402 : vector<16xi32>
      %swap3A = arith.index_cast %mul3A_398 : i32 to index
      %swap3A_404 = tpu.vector_load %arg20[%swap3A] {strides = array<i32>} : memref<8192xi32, #tpu.memory_space<vmem>>, vector<16xi32>,
      %swap3A_405 = vector.shape_cast %swap3A_404 : vector<16xi32> to vector<16xi32>
      %swap3A_406 = vector.shape_cast %and3A_403 : vector<16xi32> to vector<16xi32>
      tpu.vector_store %arg20[%swap3A], %swap3A_406 {strides = array<i32>} : memref<8192xi32, #tpu.memory_space<vmem>>, vector<16xi32>,
      %shift_right_logical3A = arith.constant 31 : i32
      %shift_right_logical3A_407 = vector.broadcast %shift_right_logical3A : i32 to vector<16xi32>
      %shift_right_logical3A_408 = arith.shrui %get3A_401, %shift_right_logical3A_407 : vector<16xi32>
      %swap3A_409 = arith.index_cast %mul3A_398 : i32 to index
      %swap3A_410 = tpu.vector_load %arg22[%swap3A_409] {strides = array<i32>} : memref<8192xi32, #tpu.memory_space<vmem>>, vector<16xi32>,
      %swap3A_411 = vector.shape_cast %swap3A_410 : vector<16xi32> to vector<16xi32>
      %swap3A_412 = vector.shape_cast %shift_right_logical3A_408 : vector<16xi32> to vector<16xi32>
      tpu.vector_store %arg22[%swap3A_409], %swap3A_412 {strides = array<i32>} : memref<8192xi32, #tpu.memory_space<vmem>>, vector<16xi32>,
      %scan3A_413 = arith.constant 0 : i32
      scf.yield %scan3A_413 : i32
    }
    %scan3A_378 = arith.constant 512 : i32
    %mul3A_379 = arith.constant 65536 : i32
    %mul3A_380 = arith.muli %add3A, %mul3A_379 : i32
    %add3A_381 = arith.constant 57344 : i32
    %add3A_382 = arith.addi %mul3A_380, %add3A_381 : i32
    %dma_start3A_383 = tpu.memref_slice %arg7[%add3A_382] : memref<2097152xi32, #tpu.memory_space<hbm>> -> memref<8192xi32, #tpu.memory_space<hbm>>
    %dma_start3A_384 = tpu.memref_slice %arg7[%add3A_382] : memref<2097152xi32, #tpu.memory_space<hbm>> -> memref<8192xi32, #tpu.memory_space<hbm>>
    tpu.enqueue_dma source(%arg20 : memref<8192xi32, #tpu.memory_space<vmem>>) target(%dma_start3A_384 : memref<8192xi32, #tpu.memory_space<hbm>>) target_semaphore(%arg29 : memref<!tpu.dma_semaphore, #tpu.memory_space<semaphore_mem>>)
    %dma_start3A_385 = tpu.memref_slice %arg8[%add3A_382] : memref<2097152xi32, #tpu.memory_space<hbm>> -> memref<8192xi32, #tpu.memory_space<hbm>>
    %dma_start3A_386 = tpu.memref_slice %arg8[%add3A_382] : memref<2097152xi32, #tpu.memory_space<hbm>> -> memref<8192xi32, #tpu.memory_space<hbm>>
    tpu.enqueue_dma source(%arg22 : memref<8192xi32, #tpu.memory_space<vmem>>) target(%dma_start3A_386 : memref<8192xi32, #tpu.memory_space<hbm>>) target_semaphore(%arg29 : memref<!tpu.dma_semaphore, #tpu.memory_space<semaphore_mem>>)
    %dma_wait3A_387 = tpu.memref_slice %arg7[%add3A_361] : memref<2097152xi32, #tpu.memory_space<hbm>> -> memref<8192xi32, #tpu.memory_space<hbm>>
    %dma_wait3A_388 = tpu.memref_slice %arg7[%add3A_361] : memref<2097152xi32, #tpu.memory_space<hbm>> -> memref<8192xi32, #tpu.memory_space<hbm>>
    tpu.wait_dma2 semaphore(%arg28 : memref<!tpu.dma_semaphore, #tpu.memory_space<semaphore_mem>>) src(%arg19 : memref<8192xi32, #tpu.memory_space<vmem>>) dst(%dma_wait3A_388 : memref<8192xi32, #tpu.memory_space<hbm>>)
    %dma_wait3A_389 = tpu.memref_slice %arg8[%add3A_361] : memref<2097152xi32, #tpu.memory_space<hbm>> -> memref<8192xi32, #tpu.memory_space<hbm>>
    %dma_wait3A_390 = tpu.memref_slice %arg8[%add3A_361] : memref<2097152xi32, #tpu.memory_space<hbm>> -> memref<8192xi32, #tpu.memory_space<hbm>>
    tpu.wait_dma2 semaphore(%arg28 : memref<!tpu.dma_semaphore, #tpu.memory_space<semaphore_mem>>) src(%arg21 : memref<8192xi32, #tpu.memory_space<vmem>>) dst(%dma_wait3A_390 : memref<8192xi32, #tpu.memory_space<hbm>>)
    %dma_wait3A_391 = tpu.memref_slice %arg7[%add3A_382] : memref<2097152xi32, #tpu.memory_space<hbm>> -> memref<8192xi32, #tpu.memory_space<hbm>>
    %dma_wait3A_392 = tpu.memref_slice %arg7[%add3A_382] : memref<2097152xi32, #tpu.memory_space<hbm>> -> memref<8192xi32, #tpu.memory_space<hbm>>
    tpu.wait_dma2 semaphore(%arg29 : memref<!tpu.dma_semaphore, #tpu.memory_space<semaphore_mem>>) src(%arg20 : memref<8192xi32, #tpu.memory_space<vmem>>) dst(%dma_wait3A_392 : memref<8192xi32, #tpu.memory_space<hbm>>)
    %dma_wait3A_393 = tpu.memref_slice %arg8[%add3A_382] : memref<2097152xi32, #tpu.memory_space<hbm>> -> memref<8192xi32, #tpu.memory_space<hbm>>
    %dma_wait3A_394 = tpu.memref_slice %arg8[%add3A_382] : memref<2097152xi32, #tpu.memory_space<hbm>> -> memref<8192xi32, #tpu.memory_space<hbm>>
    tpu.wait_dma2 semaphore(%arg29 : memref<!tpu.dma_semaphore, #tpu.memory_space<semaphore_mem>>) src(%arg22 : memref<8192xi32, #tpu.memory_space<vmem>>) dst(%dma_wait3A_394 : memref<8192xi32, #tpu.memory_space<hbm>>)
    return
  }
}

module attributes {stable_mosaic.version = 14 : i64} {
  func.func @_pack_body(%arg0: i32, %arg1: memref<8x8192xf32, #tpu.memory_space<vmem>>, %arg2: memref<8x8192xi32, #tpu.memory_space<vmem>>, %arg3: memref<8x8192xi32, #tpu.memory_space<vmem>>) attributes {dimension_semantics = [#tpu.dimension_semantics<arbitrary>], iteration_bounds = array<i64: 33>, scalar_prefetch = 0 : i64, scratch_operands = 0 : i64, tpu.core_type = #tpu.core_type<tc>, window_params = [{transform_indices = @transform_0, window_bounds = array<i64: 8, 8192>}, {transform_indices = @transform_1, window_bounds = array<i64: 8, 8192>}, {transform_indices = @transform_2, window_bounds = array<i64: 8, 8192>}]} {
    %lt3A = arith.constant 32 : i32
    %lt3A_0 = arith.cmpi slt, %arg0, %lt3A : i32
    %convert_element_type3A = arith.extui %lt3A_0 : i1 to i32
    %cond3A = arith.constant 0 : i32
    %cond3A_1 = arith.cmpi ne, %convert_element_type3A, %cond3A : i32
    scf.if %cond3A_1 {
      %get3A = arith.constant 0 : index
      %get3A_6 = arith.constant 0 : index
      %get3A_7 = vector.load %arg1[%get3A, %get3A_6] : memref<8x8192xf32, #tpu.memory_space<vmem>>, vector<8x8192xf32>
      %bitcast_convert_type3A = tpu.bitcast %get3A_7 : vector<8x8192xf32> -> vector<8x8192xi32>
      %get3A_8 = arith.constant 0 : index
      %get3A_9 = arith.constant 0 : index
      %get3A_10 = vector.load %arg2[%get3A_8, %get3A_9] : memref<8x8192xi32, #tpu.memory_space<vmem>>, vector<8x8192xi32>
      %get3A_11 = arith.constant dense<0> : vector<8x8192xi32>
      %get3A_12 = arith.cmpi ne, %get3A_10, %get3A_11 : vector<8x8192xi32>
      %jit3A = arith.constant -2147483648 : i32
      %jit3A_13 = arith.constant 0 : i32
      %broadcast_in_dim3A = vector.broadcast %jit3A : i32 to vector<8x8192xi32>
      %broadcast_in_dim3A_14 = vector.broadcast %jit3A_13 : i32 to vector<8x8192xi32>
      %select_n3A = arith.select %get3A_12, %broadcast_in_dim3A, %broadcast_in_dim3A_14 : vector<8x8192xi1>, vector<8x8192xi32>
      %or3A = arith.ori %bitcast_convert_type3A, %select_n3A : vector<8x8192xi32>
      %swap3A = arith.constant 0 : index
      %swap3A_15 = arith.constant 0 : index
      %swap3A_16 = vector.load %arg3[%swap3A, %swap3A_15] : memref<8x8192xi32, #tpu.memory_space<vmem>>, vector<8x8192xi32>
      tpu.vector_store %arg3[%swap3A, %swap3A_15], %or3A {strides = array<i32>} : memref<8x8192xi32, #tpu.memory_space<vmem>>, vector<8x8192xi32>,
    } else {
    }
    %eq3A = arith.constant 32 : i32
    %eq3A_2 = arith.cmpi eq, %arg0, %eq3A : i32
    %convert_element_type3A_3 = arith.extui %eq3A_2 : i1 to i32
    %cond3A_4 = arith.constant 0 : i32
    %cond3A_5 = arith.cmpi ne, %convert_element_type3A_3, %cond3A_4 : i32
    scf.if %cond3A_5 {
      %broadcast_in_dim3A = arith.constant 0 : i32
      %broadcast_in_dim3A_6 = vector.broadcast %broadcast_in_dim3A : i32 to vector<8x8192xi32>
      %swap3A = arith.constant 0 : index
      %swap3A_7 = arith.constant 0 : index
      %swap3A_8 = vector.load %arg3[%swap3A, %swap3A_7] : memref<8x8192xi32, #tpu.memory_space<vmem>>, vector<8x8192xi32>
      tpu.vector_store %arg3[%swap3A, %swap3A_7], %broadcast_in_dim3A_6 {strides = array<i32>} : memref<8x8192xi32, #tpu.memory_space<vmem>>, vector<8x8192xi32>,
    } else {
    }
    return
  }
  func.func @transform_0(%arg0: i32) -> (i32, i32) {
    %min3A = arith.constant 31 : i32
    %min3A_0 = arith.minsi %arg0, %min3A : i32
    %c0_i32 = arith.constant 0 : i32
    %c0_i32_1 = arith.constant 0 : i32
    return %min3A_0, %c0_i32 : i32, i32
  }
  func.func @transform_1(%arg0: i32) -> (i32, i32) {
    %min3A = arith.constant 31 : i32
    %min3A_0 = arith.minsi %arg0, %min3A : i32
    %c0_i32 = arith.constant 0 : i32
    %c0_i32_1 = arith.constant 0 : i32
    return %min3A_0, %c0_i32 : i32, i32
  }
  func.func @transform_2(%arg0: i32) -> (i32, i32) {
    %c0_i32 = arith.constant 0 : i32
    %c0_i32_0 = arith.constant 0 : i32
    return %arg0, %c0_i32 : i32, i32
  }
}

</mosaic_0001>

<sc_bundles>
// kernel: kernel.4.cloned.1.call-start
scs
__scs_entry_jumppad:
0x0: {  	(pc) =	sbr.rel $0x88, $3  }
0x1: {  	(tag) =	ssettag $0x0;
	lr =	simm.s32 $0x1  }
0x2: {  	[smem:$0x3F9D] =	sst lr;
	_ =	strace $0xD0000000  }
0x3: {  	_ = 	snop  }
0x4: {  	_ = 	snop  }
0x5: {  	_ = 	snop  }
0x6: {  	_ = 	snop  }
0x7: {  	_ = 	snop  }
__scs_overlays_trampoline_lowered:
0x8: {  	[smem:$0x3FAC] =	sst s0  }
0x9: {  	[smem:$0x3FAD] =	sst s1  }
0xa: {  	[smem:$0x3FAE] =	sst s2  }
0xb: {  	[smem:$0x3FAF] =	sst s3  }
0xc: {  	[smem:$0x3FB0] =	sst s4  }
0xd: {  	[smem:$0x3FB1] =	sst s5  }
0xe: {  	[smem:$0x3FB2] =	sst s6  }
0xf: {  	[smem:$0x3FB3] =	sst s7  }
0x10: {  	[smem:$0x3FB4] =	sst s8  }
0x11: {  	[smem:$0x3FB5] =	sst s9;
	s0 =	simm.s32 @!p0 $0x0  }
0x12: {  	s1 =	sld [smem:$0x3F9B];
	s0 =	simm.s32 @p0 $0x1  }
0x13: {  	[smem:$0x3FB6] =	sst s0;
	s0 =	simm.s32 @!p1 $0x0  }
0x14: {  	s2 =	sld [smem:$0x3F9A];
	s0 =	simm.s32 @p1 $0x1  }
0x15: {  	[smem:$0x3FB7] =	sst s0;
	s0 =	simm.s32 @!p2 $0x0  }
0x16: {  	s3 =	sld [smem:$0x3FDB];
	s0 =	simm.s32 @p2 $0x1  }
0x17: {  	s4 =	simm.s32 $0x1BF5;
	[smem:$0x3FB9] =	sst s0  }
0x18: {  	s0 =	sld [smem:$0x3F9C];
	_ =	swait.ge [sflag:s4], $0x0  }
0x19: {  	s7 =	sld [smem:$0x3F9D]  }
0x1a: {  	s8 =	sadd.s32 $0xFFFFE003, lr  }
0x1b: {  	s9 =	sadd.s32 $0xFFFFFEF7, lr;
	s5 =	simm.s32 $0xFFFFFFFF;
	p2 =	slt.u32 s8, $0xFFFFF086  }
0x1c: {  	p1 =	slt.u32 s9, $0xF7A;
	s5 =	simm.s32 @!p2 $0x0  }
0x1d: {  	s5 =	simm.s32 @p1 $0x1;
	p0 =	seq.s32 s7, s2  }
0x1e: {  	s7 =	smul.u32 @!p0 $0xF7A, s2;
	p2 =	seq.s32 @!p0 s5, $0x0  }
0x1f: {  	s9 =	smul.u32 $0xF7A, s1;
	s8 =	simm.s32 @!p0 $0x1BF5;
	p2 =	por !p2, p0  }
0x20: {  	[sflag:s8] =	ssyncset.s32 @!p0 $0xFFFFF086;
	s6 =	sadd.s32 @!p0 s3, s7;
	s7 =	simm.s32 @!p0 $0x108  }
0x21: {  	s3 =	sadd.s32 s3, s9;
	s6 =	sadd.s32 @!p0 $0x88, s6;
	s7 =	simm.s32 @p2 $0x1082  }
0x22: {  	[simem:s7], [sflag:s8] =	dma.local @!p0 [hbm:s6], $0xF7A  }
0x23: {  	s9 =	sor.u32 $0xD0000000, s2;
	s6 =	simm.s32 $0x108;
	_ =	swait.ge @!p0 [sflag:s8], $0x0  }
0x24: {  	s3 =	sadd.s32 $0x88, s3;
	s6 =	simm.s32 @!p1 $0x1082;
	[sflag:s4] =	ssyncset.s32 $0xFFFFF086  }
0x25: {  	[simem:s6], [sflag:s4] =	dma.local [hbm:s3], $0xF7A  }
0x26: {  	[smem:$0x3F9D] =	sst s1;
	(tag) =	ssettag s2;
	_ =	strace s9  }
0x27: {  	s1 =	sld [smem:$0x3FAD]  }
0x28: {  	s2 =	sld [smem:$0x3FAE]  }
0x29: {  	s4 =	sld [smem:$0x3FB0]  }
0x2a: {  	p0 =	seq.s32 s5, $0x0;
	s5 =	sld [smem:$0x3FB1]  }
0x2b: {  	s6 =	sld [smem:$0x3FB2]  }
0x2c: {  	s7 =	sld [smem:$0x3FB3]  }
0x2d: {  	s3 =	simm.s32 $0x108;
	s8 =	sld [smem:$0x3FB4]  }
0x2e: {  	s3 =	simm.s32 @!p0 $0x1082;
	s9 =	sld [smem:$0x3FB5]  }
0x2f: {  	lr =	sadd.s32 s0, s3;
	s0 =	sld [smem:$0x3FAC]  }
0x30: {  	s3 =	sld [smem:$0x3FAF]  }
0x31: {  	[smem:$0x3FB8] =	sst s10  }
0x32: {  	s10 =	sld [smem:$0x3FB6];
	_ =	sdelay $0x3  }
0x33: {  	p0 =	seq.s32 s10, $0x1;
	s10 =	sld [smem:$0x3FB8];
	_ =	sdelay $0x3  }
0x34: {  	[smem:$0x3FB8] =	sst s10  }
0x35: {  	s10 =	sld [smem:$0x3FB7];
	_ =	sdelay $0x3  }
0x36: {  	p1 =	seq.s32 s10, $0x1;
	s10 =	sld [smem:$0x3FB8];
	_ =	sdelay $0x3  }
0x37: {  	[smem:$0x3FB8] =	sst s10  }
0x38: {  	s10 =	sld [smem:$0x3FB9]  }
0x39: {  	_ = 	snop;
	(pc) =	sbr.ind lr, $3  }
0x3a: {  	_ = 	snop  }
0x3b: {  	_ = 	snop  }
0x3c: {  	p2 =	seq.s32 s10, $0x1;
	s10 =	sld [smem:$0x3FB8]  }
0x3d: {  	_ =	shalt  }
0x3e: {  	_ =	shalt  }
0x3f: {  	_ =	shalt  }
0x40: {  	_ =	shalt  }
0x41: {  	_ =	shalt  }
0x42: {  	_ =	shalt  }
0x43: {  	_ =	shalt  }
0x44: {  	_ =	shalt  }
0x45: {  	_ =	shalt  }
0x46: {  	_ =	shalt  }
0x47: {  	_ =	shalt  }
0x48: {  	_ =	shalt  }
0x49: {  	_ =	shalt  }
0x4a: {  	_ =	shalt  }
0x4b: {  	_ =	shalt  }
0x4c: {  	_ =	shalt  }
0x4d: {  	_ =	shalt  }
0x4e: {  	_ =	shalt  }
0x4f: {  	_ =	shalt  }
0x50: {  	_ =	shalt  }
0x51: {  	_ =	shalt  }
0x52: {  	_ =	shalt  }
0x53: {  	_ =	shalt  }
0x54: {  	_ =	shalt  }
0x55: {  	_ =	shalt  }
0x56: {  	_ =	shalt  }
0x57: {  	_ =	shalt  }
0x58: {  	_ =	shalt  }
0x59: {  	_ =	shalt  }
0x5a: {  	_ =	shalt  }
0x5b: {  	_ =	shalt  }
0x5c: {  	_ =	shalt  }
0x5d: {  	_ =	shalt  }
0x5e: {  	_ =	shalt  }
0x5f: {  	_ =	shalt  }
0x60: {  	_ =	shalt  }
0x61: {  	_ =	shalt  }
0x62: {  	_ =	shalt  }
0x63: {  	_ =	shalt  }
0x64: {  	_ =	shalt  }
0x65: {  	_ =	shalt  }
0x66: {  	_ =	shalt  }
0x67: {  	_ =	shalt  }
0x68: {  	_ =	shalt  }
0x69: {  	_ =	shalt  }
0x6a: {  	_ =	shalt  }
0x6b: {  	_ =	shalt  }
0x6c: {  	_ =	shalt  }
0x6d: {  	_ =	shalt  }
0x6e: {  	_ =	shalt  }
0x6f: {  	_ =	shalt  }
0x70: {  	_ =	shalt  }
0x71: {  	_ =	shalt  }
0x72: {  	_ =	shalt  }
0x73: {  	_ =	shalt  }
0x74: {  	_ =	shalt  }
0x75: {  	_ =	shalt  }
0x76: {  	_ =	shalt  }
0x77: {  	_ =	shalt  }
0x78: {  	_ =	shalt  }
0x79: {  	_ =	shalt  }
0x7a: {  	_ =	shalt  }
0x7b: {  	_ =	shalt  }
0x7c: {  	_ =	shalt  }
0x7d: {  	_ =	shalt  }
0x7e: {  	_ =	shalt  }
0x7f: {  	_ =	shalt  }
0x80: {  	_ =	shalt  }
0x81: {  	_ =	shalt  }
0x82: {  	_ =	shalt  }
0x83: {  	_ =	shalt  }
0x84: {  	_ =	shalt  }
0x85: {  	_ =	shalt  }
0x86: {  	_ =	shalt  }
0x87: {  	_ =	shalt  }
.Lfunc_end0:
.L_simem_size_0:
called_computation_lowered:
.L_overlay_start_0:
0x88: {  	s2 =	sld [smem:$0x3FD9]  }
0x89: {  	s3 =	sld [smem:$0x3FFE];
	_ =	sdelay $0x1  }
0x8a: {  	s1 =	srdreg.scid  }
0x8b: {  	s0 =	sand.u32 $0x1, s1  }
0x8c: {  	s14 =	sshll.u32 s0, $0xA;
	s2 =	sadd.s32 s3, s2  }
0x8d: {  	s2 =	sadd.s32 s2, s14  }
0x8e: {  	[smem:$0x3FC4] =	sst s2  }
0x8f: {  	_ = 	snop  }
0x90: {  	s2 =	sld [smem:$0x3FD0];
	_ =	sdelay $0x2  }
0x91: {  	s15 =	simm.s32 $0xA;
	s4 =	simm.s32 $0x10  }
0x92: {  	[smem:s4], [sflag:s15] =	dma.local [hbm:s2], $0x1  }
0x93: {  	_ =	swait.eq [sflag:s15], $0x1  }
0x94: {  	[sflag:s15] =	ssyncset.done $0x0  }
0x95: {  	s16 =	sld [smem:$0x10];
	[sflag:s15] =	ssyncadd.s32 $0xFFFFFFFF  }
0x96: {  	s17 =	sld [smem:$0x11];
	(tm) =	ssettm $0x1  }
0x97: {  	s18 =	sld [smem:$0x3FFB];
	_ =	sdelay $0x3  }
0x98: {  	_ =	strace s18  }
0x99: {  	s4 =	sld [smem:$0x3FFC];
	_ =	sdelay $0x3  }
0x9a: {  	_ =	strace s4  }
0x9b: {  	s4 =	sld [smem:$0x3FFD];
	_ =	sdelay $0x3  }
0x9c: {  	_ =	strace s4  }
0x9d: {  	_ =	strace $0x8FFFFFFF  }
0x9e: {  	s19 =	sld [smem:$0x3FDB];
	_ =	sdelay $0x1  }
0x9f: {  	s5 =	simm.s32 $_scs_section_size  }
0xa0: {  	s6 =	simm.s32 $_size__tile_overlayer_lowered;
	s7 =	simm.s32 $_tile_overlayer_lowered  }
0xa1: {  	s22 =	simm.s32 $0x1BFF;
	s21 =	sshll.u32 s7, $0x1;
	s4 =	sadd.s32 s5, s19  }
0xa2: {  	s8 =	simm.s32 $0x0;
	s20 =	sshll.u32 s6, $0x1;
	s6 =	sadd.s32 s21, s4  }
0xa3: {  	[timem:s8], [sflag:s22] =	dma.local [hbm:s6], s20  }
0xa4: {  	_ =	swait.ge [sflag:s22], s20  }
0xa5: {  	s5 =	ssub.s32 $0x0, s20;
	[sflag:s22] =	ssyncset.done $0x0  }
0xa6: {  	[sflag:s22] =	ssyncadd.s32 s5;
	_ =	sdelay $0x1  }
0xa7: {  	s23 =	simm.s32 $0x1B8B  }
0xa8: {  	_ =	swait.ge [sflag:s23], $0x1  }
0xa9: {  	[sflag:s23] =	ssyncset.done $0x0  }
0xaa: {  	s25 =	simm.s32 $0x1B8E;
	s24 =	sld [smem:$0x3FFE];
	[sflag:s23] =	ssyncadd.s32 $0xFFFFFFFF  }
0xab: {  	s26 =	simm.s32 $execute0_lowered;
	[smem:$0x3FD2] =	sst s25  }
0xac: {  	s6 =	sshll.u32 s26, $0x1;
	_ =	strace $0x80000046;
	[dreg:$0x1] =	wrdreg $0xFFFFFFFF  }
0xad: {  	s28 =	simm.s32 $_size_execute0_lowered;
	s4 =	sadd.s32 s4, s6;
	[dreg:$0x0] =	wrdreg $0x0  }
0xae: {  	s6 =	sshll.u32 s28, $0x1;
	[dreg:$0x2] =	wrdreg s4  }
0xaf: {  	[dreg:$0x3] =	wrdreg s6  }
0xb0: {  	[dreg:$0x4] =	wrdreg $0xC0  }
0xb1: {  	_ =	task [dreg:s8], $0x5FFFF  }
0xb2: {  	[dreg:$0x1] =	wrdreg $0xFFFFFFFF  }
0xb3: {  	[dreg:$0x0] =	wrdreg $0x60  }
0xb4: {  	[dreg:$0x2] =	wrdreg s24  }
0xb5: {  	[dreg:$0x3] =	wrdreg s16  }
0xb6: {  	[dreg:$0x4] =	wrdreg s17  }
0xb7: {  	[dreg:$0x5] =	wrdreg $0x9  }
0xb8: {  	_ =	task.clear_ibuf [dreg:s8], $0x6FFFF;
	_ =	strace $0x90000046  }
0xb9: {  	s29 =	simm.s32 $0x9;
	_ =	strace $0x80000048  }
0xba: {  	_ =	swait.ge [sflag:s29], $0x1  }
0xbb: {  	[sflag:s29] =	ssyncadd.s32 $0xFFFFFFFF  }
0xbc: {  	_ =	strace $0x90000048  }
0xbd: {  	_ =	sfence  }
0xbe: {  	s30 =	sld [smem:$0x0];
	_ =	sdelay $0x2  }
0xbf: {  	s31 =	sshll.u32 s1, $0xD;
	s1 =	sshrl.u32 s1, $0x2  }
0xc0: {  	s3 =	sand.u32 $0x4000, s31;
	s1 =	sadd.s32 s1, s30  }
0xc1: {  	s0 =	sor.u32 s3, s0;
	s1 =	sshll.u32 s1, $0x11  }
0xc2: {  	s0 =	sor.u32 s1, s0  }
0xc3: {  	s0 =	sadd.s32 $0x8F2B, s0  }
0xc4: {  	[sflag:s0] =	ssyncadd.remote.s32 $0x1  }
0xc5: {  	_ =	sfence.sel $0xFFFF  }
0xc6: {  	[dreg:$0x0] =	wrdreg $0xFFFFFFFF;
	(pc) =	sbr.abs _section_cstart, $3  }
0xc7: {  	[dreg:$0x1] =	wrdreg $0xFFFFFFFF  }
0xc8: {  	_ =	task.clear_ibuf [dreg:s8], $0x2FFFF;
	_ =	strace $0x9FFFFFFF  }
0xc9: {  	(tm) =	ssettm $0x7FFFFFFF  }
tec
execute0_lowered:
.L_overlay_start_1:
0x0: {  	(tag) =	ssettag $0x1  }
0x1: {  	s3 =	srdreg.scid  }
0x2: {  	s5 =	stileid.u32;
	s3 =	sand.u32 $0x1, s3  }
0x3: {  	s0 =	rddreg [dreg:$0x0];
	s5 =	sshll.u32 s5, $0xE;
	s6 =	sshll.u32 s3, $0xD  }
0x4: {  	s2 =	rddreg [dreg:$0x1];
	s5 =	sor.u32 s6, s5  }
0x5: {  	s1 =	simm.s32 $0x0;
	s4 =	sadd.s32 $0x85000, s0;
	s9 =	sor.u32 $0x400, s5  }
0x6: {  	[smem:$0x7FF] =	sst s1;
	s7 =	sadd.s32 $0x1000, s0;
	s23 =	sadd.s32 s4, s9  }
0x7: {  	s24 =	sadd.s32 s7, s9;
	[dreg:$0x4] =	wrdreg s23  }
0x8: {  	s26 =	sor.u32 $0x800, s5;
	s25 =	sadd.s32 s2, s9;
	[dreg:$0x5] =	wrdreg s24  }
0x9: {  	s10 =	sadd.s32 s4, s26;
	[dreg:$0x6] =	wrdreg s25  }
0xa: {  	s13 =	sor.u32 $0xC00, s5;
	s12 =	sadd.s32 s7, s26;
	[dreg:$0x7] =	wrdreg s10  }
0xb: {  	s14 =	sadd.s32 s4, s13;
	[dreg:$0x8] =	wrdreg s12  }
0xc: {  	s15 =	sadd.s32 s7, s13;
	[dreg:$0xa] =	wrdreg s14  }
0xd: {  	s6 =	sadd.s32 $0xC5000, s0;
	s16 =	sadd.s32 s2, s13;
	[dreg:$0xb] =	wrdreg s15  }
0xe: {  	s11 =	sadd.s32 $0x105000, s0;
	s17 =	sadd.s32 s6, s9;
	[dreg:$0xc] =	wrdreg s16  }
0xf: {  	s3 =	ssub.s32 $0x2, s3;
	s9 =	sadd.s32 s11, s9;
	[dreg:$0xd] =	wrdreg s17  }
0x10: {  	s8 =	sshrl.u32 s3, $0x1;
	s19 =	sadd.s32 s6, s26;
	[dreg:$0xe] =	wrdreg s9  }
0x11: {  	s3 =	ssub.s32 s3, s8;
	s8 =	sadd.s32 s11, s26;
	[dreg:$0xf] =	wrdreg s19  }
0x12: {  	s20 =	sadd.s32 s6, s13;
	[dreg:$0x10] =	wrdreg s8  }
0x13: {  	s18 =	sor.u32 $0x1000, s5;
	s21 =	sadd.s32 s11, s13;
	[dreg:$0x11] =	wrdreg s20  }
0x14: {  	s22 =	sadd.s32 s4, s18;
	[dreg:$0x12] =	wrdreg s21  }
0x15: {  	s13 =	sadd.s32 s6, s5;
	[dreg:$0x13] =	wrdreg s22  }
0x16: {  	s12 =	sadd.s32 s2, s26;
	[dreg:$0x1b] =	wrdreg s13  }
0x17: {  	s23 =	sadd.s32 s7, s18;
	[dreg:$0x9] =	wrdreg s12  }
0x18: {  	s28 =	simm.s32 $0x14000;
	s24 =	sadd.s32 s2, s18;
	[dreg:$0x14] =	wrdreg s23  }
0x19: {  	s29 =	simm.s32 $0x18000;
	s25 =	sadd.s32 s6, s18;
	[dreg:$0x15] =	wrdreg s24  }
0x1a: {  	s30 =	simm.s32 $0x4;
	s26 =	sadd.s32 s11, s18;
	[dreg:$0x16] =	wrdreg s25  }
0x1b: {  	s31 =	simm.s32 $0x16000;
	s9 =	sadd.s32 s4, s5;
	[dreg:$0x17] =	wrdreg s26  }
0x1c: {  	s10 =	sadd.s32 s7, s5;
	s14 =	sadd.s32 s11, s5;
	[dreg:$0x18] =	wrdreg s9  }
0x1d: {  	s15 =	sor.u32 $0x1400, s5;
	s16 =	sor.u32 $0x1800, s5;
	[dreg:$0x19] =	wrdreg s10  }
0x1e: {  	s13 =	smax.u32 s3, $0x1;
	s12 =	sadd.s32 s2, s5;
	[dreg:$0x1c] =	wrdreg s14  }
0x1f: {  	s3 =	simm.s32 $0x6;
	s17 =	sadd.s32 s4, s15;
	[dreg:$0x1a] =	wrdreg s12  }
0x20: {  	s5 =	sor.u32 $0x1C00, s5;
	s18 =	sadd.s32 s4, s16;
	[dreg:$0x1d] =	wrdreg s17  }
0x21: {  	s19 =	sadd.s32 s7, s15;
	s20 =	sadd.s32 s7, s16;
	[dreg:$0x1e] =	wrdreg s18  }
0x22: {  	s22 =	sadd.s32 s2, s15;
	s23 =	sadd.s32 s2, s16;
	[smem:$0x7F5] =	sst s19  }
0x23: {  	s24 =	sadd.s32 s6, s15;
	s25 =	sadd.s32 s11, s15;
	[smem:$0x7F6] =	sst s20  }
0x24: {  	s26 =	sadd.s32 s6, s16;
	s9 =	sadd.s32 s11, s16;
	[smem:$0x7F8] =	sst s22  }
0x25: {  	s14 =	simm.s32 $0x7;
	s15 =	simm.s32 $0x2000;
	[smem:$0x7F9] =	sst s23  }
0x26: {  	s16 =	simm.s32 $0x4000;
	s4 =	sadd.s32 s4, s5;
	[smem:$0x7FB] =	sst s24  }
0x27: {  	s21 =	sadd.s32 s7, s5;
	s2 =	sadd.s32 s2, s5;
	[smem:$0x7FC] =	sst s25  }
0x28: {  	[smem:$0x7FD] =	sst s26;
	s10 =	sadd.s32 s6, s5;
	s11 =	sadd.s32 s11, s5  }
0x29: {  	s12 =	sadd.s32 $0x43000, s0;
	s17 =	simm.s32 $0x6000;
	s18 =	simm.s32 $0x8000  }
0x2a: {  	s19 =	simm.s32 $0xA000;
	s20 =	simm.s32 $0x1;
	s22 =	simm.s32 $0x10000  }
0x2b: {  	s23 =	simm.s32 $0x2;
	s24 =	simm.s32 $0xE000;
	[dreg:$0x1f] =	wrdreg s4  }
0x2c: {  	s25 =	simm.s32 $0x12000;
	s26 =	simm.s32 $0x3;
	[smem:$0x7F7] =	sst s21  }
0x2d: {  	s0 =	simm.s32 $0x1A000;
	[smem:$0x7FA] =	sst s2;
	s21 =	simm.s32 $0xC000  }
0x2e: {  	s2 =	simm.s32 $0x5;
	s4 =	simm.s32 $0x0;
	_ =	strace $0x80000047  }
.LBB2_1:
0x2f: {  	s5 =	rddreg [dreg:$0x2];
	s6 =	simm.s32 $0x1C000  }
0x30: {  	[tilespmem:s6], [sflag:$0x7] =	stream.linear.gather [hbm4b:s5+s1], $0x300, $0x38;
	[tilespmem:$0x1C400] =	vst v63  }
0x31: {  	_ =	swait.ge [sflag:s14], $0x300  }
0x32: {  	[sflag:s14] =	ssyncset.done $0x0  }
0x33: {  	[sflag:s14] =	ssyncadd.s32 $0xFFFFFD00  }
0x34: {  	v4 =	vld [tilespmem:$0x1C000]  }
0x35: {  	v5 =	vld [tilespmem:$0x1C080]  }
0x36: {  	v3 =	vld [tilespmem:$0x1C100]  }
0x37: {  	v1 =	vld [tilespmem:$0x1C180]  }
0x38: {  	s6 =	rddreg [dreg:$0x18];
	v2 =	vld [tilespmem:$0x1C200]  }
0x39: {  	v0 =	vld [tilespmem:$0x1C280];
	[tilespmem:s1], [sflag:$0x1] =	stream.linear.gather [hbm4b:s6+s1], $0x2000, $0x38  }
0x3a: {  	s7 =	rddreg [dreg:$0x19]  }
0x3b: {  	[tilespmem:s15], [sflag:$0x1] =	stream.linear.gather [hbm4b:s7+s1], $0x2000, $0x38;
	[tilespmem:$0x1C400] =	vst v63  }
0x3c: {  	s8 =	rddreg [dreg:$0x1a]  }
0x3d: {  	[tilespmem:s16], [sflag:$0x1] =	stream.linear.gather [hbm4b:s8+s1], $0x2000, $0x38;
	[tilespmem:$0x1C400] =	vst v63  }
0x3e: {  	s6 =	rddreg [dreg:$0x4]  }
0x3f: {  	[tilespmem:s17], [sflag:$0x2] =	stream.linear.gather [hbm4b:s6+s1], $0x2000, $0x38;
	[tilespmem:$0x1C400] =	vst v63  }
0x40: {  	s7 =	rddreg [dreg:$0x5]  }
0x41: {  	[tilespmem:s18], [sflag:$0x2] =	stream.linear.gather [hbm4b:s7+s1], $0x2000, $0x38;
	[tilespmem:$0x1C400] =	vst v63  }
0x42: {  	s8 =	rddreg [dreg:$0x6]  }
0x43: {  	[tilespmem:s19], [sflag:$0x2] =	stream.linear.gather [hbm4b:s8+s1], $0x2000, $0x38;
	[tilespmem:$0x1C400] =	vst v63  }
0x44: {  	_ =	swait.ge [sflag:s20], $0x2000  }
0x45: {  	[sflag:s20] =	ssyncset.done $0x0  }
0x46: {  	[sflag:s20] =	ssyncadd.s32 $0xFFFFE000  }
0x47: {  	_ =	swait.ge [sflag:s20], $0x2000  }
0x48: {  	[sflag:s20] =	ssyncset.done $0x0  }
0x49: {  	[sflag:s20] =	ssyncadd.s32 $0xFFFFE000  }
0x4a: {  	_ =	swait.ge [sflag:s20], $0x2000  }
0x4b: {  	[sflag:s20] =	ssyncset.done $0x0  }
0x4c: {  	s7 =	simm.s32 $0x0;
	[sflag:s20] =	ssyncadd.s32 $0xFFFFE000  }
0x4d: {  	v6 =	vld [tilespmem:s7+$0x0]  }
0x4e: {  	v7 =	vld [tilespmem:s7+$0x2000]  }
0x4f: {  	v8 =	vld [tilespmem:s7+$0x4000]  }
0x50: {  	s5 =	simm.s32 $0x10  }
0x51: {  	v10 =	vld [tilespmem:s5+$0x2000];
	_ =	sdelay $0x1  }
0x52: {  	v6 =	vsub.f32 v6, v4;
	v7 =	vsub.f32 v7, v5  }
0x53: {  	v8 =	vsub.f32 v8, v3  }
0x54: {  	v6 =	vmul.f32 v6, v1;
	v7 =	vmul.f32 v7, v2  }
0x55: {  	v11 =	vsub.f32 v10, v5;
	v8 =	vmul.f32 v8, v0  }
0x56: {  	v12 =	vmin.f32 v6, v7;
	v13 =	vtrunc.f32 v6;
	v14 =	vtrunc.f32 v7  }
0x57: {  	v6 =	vmax.f32 v6, v7;
	v7 =	vcvt.f32.s32 v13;
	v62 =	vcvt.f32.s32 v14  }
0x58: {  	v9 =	vld [tilespmem:s5+$0x0];
	v12 =	vmin.f32 v12, v8;
	v6 =	vmax.f32 v6, v8;
	v8 =	vtrunc.f32 v8  }
0x59: {  	s6 =	simm.s32 $0x20;
	v10 =	vld [tilespmem:s5+$0x4000];
	v8 =	vcvt.f32.s32 v8;
	v7 =	vshll.u32 v7, $0xE;
	v13 =	vshll.u32 v62, $0x7  }
0x5a: {  	vm1 =	vlt.f32 v6, $1.280000000e+02;
	v6 =	vld [tilespmem:s6+$0x0];
	v7 =	vadd.s32 v7, v13  }
0x5b: {  	v63 =	vadd.s32 v8, v7;
	v7 =	vld [tilespmem:s6+$0x2000];
	_ =	sdelay $0x1  }
0x5c: {  	v9 =	vsub.f32 v9, v4;
	vm0 =	vgt.f32 v12, $0.0e+00  }
0x5d: {  	v10 =	vsub.f32 v10, v3;
	vm0 =	vmand vm0, vm1  }
0x5e: {  	s8 =	simm.s32 $0xC0;
	v8 =	vmul.f32 v9, v1;
	v9 =	vmul.f32 v11, v2;
	v11 =	vnsel vm0, $0x200000, v63  }
.LBB2_2:
0x5f: {  	p0 =	sne.s32 s8, $0x7FC0;
	v12 =	vsub.f32 v6, v4;
	v13 =	vsub.f32 v7, v5;
	v10 =	vmul.f32 v10, v0;
	[tilespmem:s7+$0xC000] =	vst v11;
	s7 =	smov.u32 s5;
	s5 =	smov.u32 s6  }
0x60: {  	s6 =	sshra.s32 s8, $0x2;
	v11 =	vld [tilespmem:s5+$0x4000];
	v14 =	vmin.f32 v8, v9;
	v7 =	vtrunc.f32 v8;
	v15 =	vtrunc.f32 v9  }
0x61: {  	v8 =	vmax.f32 v8, v9;
	v6 =	vld [tilespmem:s6+$0x0];
	v9 =	vcvt.f32.s32 v7;
	v15 =	vcvt.f32.s32 v15  }
.Ltmp0:
0x62: {  	v14 =	vmin.f32 v14, v10;
	v8 =	vmax.f32 v8, v10;
	v10 =	vtrunc.f32 v10;
	v7 =	vld [tilespmem:s6+$0x2000];
	(pc) =	sbr.rel @p0 .LBB2_2-.Ltmp0, $4  }
0x63: {  	v16 =	vcvt.f32.s32 v10;
	v9 =	vshll.u32 v9, $0xE;
	v10 =	vshll.u32 v15, $0x7  }
0x64: {  	vm0 =	vgt.f32 v14, $0.0e+00;
	vm1 =	vlt.f32 v8, $1.280000000e+02;
	v8 =	vadd.s32 v9, v10  }
0x65: {  	vm0 =	vmand vm0, vm1;
	v10 =	vsub.f32 v11, v3;
	v11 =	vadd.s32 v16, v8  }
0x66: {  	s8 =	sadd.s32 $0x40, s8;
	v9 =	vmul.f32 v13, v2;
	v8 =	vmul.f32 v12, v1;
	v11 =	vnsel vm0, $0x200000, v11  }
0x67: {  	v6 =	vsub.f32 v6, v4  }
0x68: {  	[tilespmem:s7+$0xC000] =	vst v11;
	v7 =	vsub.f32 v7, v5;
	v10 =	vmul.f32 v10, v0;
	v12 =	vmin.f32 v8, v9  }
0x69: {  	v11 =	vld [tilespmem:s6+$0x4000];
	v13 =	vtrunc.f32 v8;
	v14 =	vtrunc.f32 v9;
	v8 =	vmax.f32 v8, v9  }
0x6a: {  	v9 =	vcvt.f32.s32 v13;
	v57 =	vcvt.f32.s32 v14;
	v12 =	vmin.f32 v12, v10  }
0x6b: {  	v8 =	vmax.f32 v8, v10;
	v10 =	vtrunc.f32 v10;
	v6 =	vmul.f32 v6, v1  }
0x6c: {  	v7 =	vmul.f32 v7, v2;
	v10 =	vcvt.f32.s32 v10  }
0x6d: {  	vm0 =	vgt.f32 v12, $0.0e+00;
	v9 =	vshll.u32 v9, $0xE;
	v13 =	vshll.u32 v57, $0x7  }
0x6e: {  	vm1 =	vlt.f32 v8, $1.280000000e+02;
	v9 =	vadd.s32 v9, v13;
	v8 =	vsub.f32 v11, v3  }
0x6f: {  	vm0 =	vmand vm0, vm1;
	v58 =	vtrunc.f32 v7;
	v9 =	vadd.s32 v10, v9  }
0x70: {  	v10 =	vmin.f32 v6, v7;
	v11 =	vtrunc.f32 v6;
	v8 =	vmul.f32 v8, v0  }
0x71: {  	v6 =	vmax.f32 v6, v7;
	v7 =	vcvt.f32.s32 v11;
	v11 =	vcvt.f32.s32 v58  }
0x72: {  	v10 =	vmin.f32 v10, v8;
	v6 =	vmax.f32 v6, v8;
	v8 =	vtrunc.f32 v8  }
0x73: {  	v7 =	vshll.u32 v7, $0xE;
	v11 =	vshll.u32 v11, $0x7;
	v8 =	vcvt.f32.s32 v8  }
0x74: {  	vm12 =	vgt.f32 v10, $0.0e+00;
	vm2 =	vlt.f32 v6, $1.280000000e+02;
	v6 =	vadd.s32 v7, v11  }
0x75: {  	v7 =	vnsel vm0, $0x200000, v9;
	vm13 =	vmand vm12, vm2;
	v6 =	vadd.s32 v8, v6  }
0x76: {  	[tilespmem:s5+$0xC000] =	vst v7;
	v6 =	vnsel vm13, $0x200000, v6  }
0x77: {  	[tilespmem:s6+$0xC000] =	vst v6  }
0x78: {  	[tilespmem:s22], [sflag:$0x3] =	stream.indirect.gather [hbm4b:s12+s15], $0x1, s21, s15, $0xb8;
	[tilespmem:$0x1C400] =	vst v63  }
0x79: {  	s8 =	rddreg [dreg:$0x7];
	s5 =	simm.s32 $0x0  }
0x7a: {  	[tilespmem:s5], [sflag:$0x1] =	stream.linear.gather [hbm4b:s8+s5], $0x2000, $0x38;
	[tilespmem:$0x1C400] =	vst v63  }
0x7b: {  	s7 =	rddreg [dreg:$0x8]  }
0x7c: {  	[tilespmem:s15], [sflag:$0x1] =	stream.linear.gather [hbm4b:s7+s5], $0x2000, $0x38;
	[tilespmem:$0x1C400] =	vst v63  }
0x7d: {  	s8 =	rddreg [dreg:$0x9]  }
0x7e: {  	[tilespmem:s16], [sflag:$0x1] =	stream.linear.gather [hbm4b:s8+s5], $0x2000, $0x38;
	[tilespmem:$0x1C400] =	vst v63  }
0x7f: {  	_ =	swait.ge [sflag:s23], $0x2000  }
0x80: {  	[sflag:s23] =	ssyncset.done $0x0  }
0x81: {  	[sflag:s23] =	ssyncadd.s32 $0xFFFFE000  }
0x82: {  	_ =	swait.ge [sflag:s23], $0x2000  }
0x83: {  	[sflag:s23] =	ssyncset.done $0x0  }
0x84: {  	[sflag:s23] =	ssyncadd.s32 $0xFFFFE000  }
0x85: {  	_ =	swait.ge [sflag:s23], $0x2000  }
0x86: {  	[sflag:s23] =	ssyncset.done $0x0  }
0x87: {  	s7 =	simm.s32 $0x0;
	[sflag:s23] =	ssyncadd.s32 $0xFFFFE000  }
0x88: {  	v6 =	vld [tilespmem:s7+$0x6000]  }
0x89: {  	v7 =	vld [tilespmem:s7+$0x8000]  }
0x8a: {  	v8 =	vld [tilespmem:s7+$0xA000]  }
0x8b: {  	s5 =	simm.s32 $0x10  }
0x8c: {  	v10 =	vld [tilespmem:s5+$0x8000];
	_ =	sdelay $0x1  }
0x8d: {  	v6 =	vsub.f32 v6, v4;
	v7 =	vsub.f32 v7, v5  }
0x8e: {  	v8 =	vsub.f32 v8, v3  }
0x8f: {  	v6 =	vmul.f32 v6, v1;
	v7 =	vmul.f32 v7, v2  }
0x90: {  	v11 =	vsub.f32 v10, v5;
	v8 =	vmul.f32 v8, v0  }
0x91: {  	v59 =	vmin.f32 v6, v7;
	v60 =	vtrunc.f32 v6;
	v61 =	vtrunc.f32 v7  }
0x92: {  	v6 =	vmax.f32 v6, v7;
	v7 =	vcvt.f32.s32 v60;
	v62 =	vcvt.f32.s32 v61  }
0x93: {  	v9 =	vld [tilespmem:s5+$0x6000];
	v12 =	vmin.f32 v59, v8;
	v6 =	vmax.f32 v6, v8;
	v8 =	vtrunc.f32 v8  }
0x94: {  	s6 =	simm.s32 $0x20;
	v10 =	vld [tilespmem:s5+$0xA000];
	v8 =	vcvt.f32.s32 v8;
	v7 =	vshll.u32 v7, $0xE;
	v13 =	vshll.u32 v62, $0x7  }
0x95: {  	vm15 =	vlt.f32 v6, $1.280000000e+02;
	v6 =	vld [tilespmem:s6+$0x6000];
	v7 =	vadd.s32 v7, v13  }
0x96: {  	v63 =	vadd.s32 v8, v7;
	v7 =	vld [tilespmem:s6+$0x8000];
	_ =	sdelay $0x1  }
0x97: {  	v9 =	vsub.f32 v9, v4;
	vm14 =	vgt.f32 v12, $0.0e+00  }
0x98: {  	v10 =	vsub.f32 v10, v3;
	vm0 =	vmand vm14, vm15  }
0x99: {  	s8 =	simm.s32 $0xC0;
	v8 =	vmul.f32 v9, v1;
	v9 =	vmul.f32 v11, v2;
	v11 =	vnsel vm0, $0x200000, v63  }
.LBB2_4:
0x9a: {  	p0 =	sne.s32 s8, $0x7FC0;
	v12 =	vsub.f32 v6, v4;
	v13 =	vsub.f32 v7, v5;
	v10 =	vmul.f32 v10, v0;
	[tilespmem:s7+$0xE000] =	vst v11;
	s7 =	smov.u32 s5;
	s5 =	smov.u32 s6  }
0x9b: {  	s6 =	sshra.s32 s8, $0x2;
	v11 =	vld [tilespmem:s5+$0xA000];
	v14 =	vmin.f32 v8, v9;
	v7 =	vtrunc.f32 v8;
	v15 =	vtrunc.f32 v9  }
0x9c: {  	v8 =	vmax.f32 v8, v9;
	v6 =	vld [tilespmem:s6+$0x6000];
	v9 =	vcvt.f32.s32 v7;
	v15 =	vcvt.f32.s32 v15  }
.Ltmp1:
0x9d: {  	v14 =	vmin.f32 v14, v10;
	v8 =	vmax.f32 v8, v10;
	v10 =	vtrunc.f32 v10;
	v7 =	vld [tilespmem:s6+$0x8000];
	(pc) =	sbr.rel @p0 .LBB2_4-.Ltmp1, $4  }
0x9e: {  	v16 =	vcvt.f32.s32 v10;
	v9 =	vshll.u32 v9, $0xE;
	v10 =	vshll.u32 v15, $0x7  }
0x9f: {  	vm0 =	vgt.f32 v14, $0.0e+00;
	vm1 =	vlt.f32 v8, $1.280000000e+02;
	v8 =	vadd.s32 v9, v10  }
0xa0: {  	vm0 =	vmand vm0, vm1;
	v10 =	vsub.f32 v11, v3;
	v11 =	vadd.s32 v16, v8  }
0xa1: {  	s8 =	sadd.s32 $0x40, s8;
	v9 =	vmul.f32 v13, v2;
	v8 =	vmul.f32 v12, v1;
	v11 =	vnsel vm0, $0x200000, v11  }
0xa2: {  	v6 =	vsub.f32 v6, v4  }
0xa3: {  	[tilespmem:s7+$0xE000] =	vst v11;
	v7 =	vsub.f32 v7, v5;
	v10 =	vmul.f32 v10, v0;
	v12 =	vmin.f32 v8, v9  }
0xa4: {  	v11 =	vld [tilespmem:s6+$0xA000];
	v13 =	vtrunc.f32 v8;
	v14 =	vtrunc.f32 v9;
	v8 =	vmax.f32 v8, v9  }
0xa5: {  	v58 =	vcvt.f32.s32 v13;
	v59 =	vcvt.f32.s32 v14;
	v12 =	vmin.f32 v12, v10  }
0xa6: {  	v8 =	vmax.f32 v8, v10;
	v10 =	vtrunc.f32 v10;
	v6 =	vmul.f32 v6, v1  }
0xa7: {  	v7 =	vmul.f32 v7, v2;
	v10 =	vcvt.f32.s32 v10  }
0xa8: {  	vm0 =	vgt.f32 v12, $0.0e+00;
	vm1 =	vlt.f32 v8, $1.280000000e+02;
	v9 =	vshll.u32 v58, $0xE  }
0xa9: {  	v13 =	vshll.u32 v59, $0x7;
	vm0 =	vmand vm0, vm1;
	v8 =	vsub.f32 v11, v3  }
0xaa: {  	v60 =	vmin.f32 v6, v7;
	v61 =	vtrunc.f32 v6;
	v62 =	vtrunc.f32 v7  }
0xab: {  	v6 =	vmax.f32 v6, v7;
	v9 =	vadd.s32 v9, v13;
	v8 =	vmul.f32 v8, v0  }
0xac: {  	v7 =	vcvt.f32.s32 v61;
	v63 =	vcvt.f32.s32 v62;
	v9 =	vadd.s32 v10, v9  }
0xad: {  	v10 =	vmin.f32 v60, v8;
	v6 =	vmax.f32 v6, v8;
	v8 =	vtrunc.f32 v8  }
0xae: {  	v7 =	vshll.u32 v7, $0xE;
	v11 =	vshll.u32 v63, $0x7;
	v8 =	vcvt.f32.s32 v8  }
0xaf: {  	vm14 =	vgt.f32 v10, $0.0e+00;
	vm2 =	vlt.f32 v6, $1.280000000e+02;
	v6 =	vadd.s32 v7, v11  }
0xb0: {  	v7 =	vnsel vm0, $0x200000, v9;
	vm15 =	vmand vm14, vm2;
	v6 =	vadd.s32 v8, v6  }
0xb1: {  	[tilespmem:s5+$0xE000] =	vst v7;
	v6 =	vnsel vm15, $0x200000, v6  }
0xb2: {  	[tilespmem:s6+$0xE000] =	vst v6  }
0xb3: {  	[tilespmem:s25], [sflag:$0x4] =	stream.indirect.gather [hbm4b:s12+s15], $0x1, s24, s15, $0xb8;
	[tilespmem:$0x1C400] =	vst v63  }
0xb4: {  	_ =	swait.ge [sflag:s26], $0x2000  }
0xb5: {  	[sflag:s26] =	ssyncset.done $0x0  }
0xb6: {  	s5 =	simm.s32 $0x0;
	[sflag:s26] =	ssyncadd.s32 $0xFFFFE000  }
0xb7: {  	v6 =	vld [tilespmem:s5+$0x10000]  }
0xb8: {  	s6 =	simm.s32 $0x40  }
.LBB2_6:
0xb9: {  	p0 =	sne.s32 s6, $0x7FC0  }
.Ltmp2:
0xba: {  	_ = 	snop;
	(pc) =	sbr.rel @p0 .LBB2_6-.Ltmp2, $4  }
0xbb: {  	_ = 	snop  }
0xbc: {  	s7 =	sshra.s32 s6, $0x2;
	s6 =	sadd.s32 $0x40, s6;
	v7 =	vand.u32 $0x7FFFFFFF, v6;
	v8 =	vshrl.u32 v6, $0x1F  }
0xbd: {  	v6 =	vld [tilespmem:s7+$0x10000];
	[tilespmem:s5+$0x18000] =	vst v8  }
0xbe: {  	[tilespmem:s5+$0x14000] =	vst v7;
	s5 =	smov.u32 s7  }
0xbf: {  	_ =	sdelay $0x2  }
0xc0: {  	v7 =	vshrl.u32 v6, $0x1F  }
0xc1: {  	v6 =	vand.u32 $0x7FFFFFFF, v6;
	[tilespmem:s5+$0x18000] =	vst v7  }
0xc2: {  	s6 =	rddreg [dreg:$0x1b];
	[tilespmem:s5+$0x14000] =	vst v6;
	s5 =	simm.s32 $0x0  }
0xc3: {  	[hbm4b:s6+s5] =	stream.linear.scatter [tilespmem:s28], [sflag:$0x5], $0x2000, $0x38;
	[tilespmem:$0x1C400] =	vst v63  }
0xc4: {  	s7 =	rddreg [dreg:$0x1c]  }
0xc5: {  	[hbm4b:s7+s5] =	stream.linear.scatter [tilespmem:s29], [sflag:$0x5], $0x2000, $0x38;
	[tilespmem:$0x1C400] =	vst v63  }
0xc6: {  	s8 =	rddreg [dreg:$0xa]  }
0xc7: {  	[tilespmem:s17], [sflag:$0x2] =	stream.linear.gather [hbm4b:s8+s5], $0x2000, $0x38;
	[tilespmem:$0x1C400] =	vst v63  }
0xc8: {  	s7 =	rddreg [dreg:$0xb]  }
0xc9: {  	[tilespmem:s18], [sflag:$0x2] =	stream.linear.gather [hbm4b:s7+s5], $0x2000, $0x38;
	[tilespmem:$0x1C400] =	vst v63  }
0xca: {  	s8 =	rddreg [dreg:$0xc]  }
0xcb: {  	[tilespmem:s19], [sflag:$0x2] =	stream.linear.gather [hbm4b:s8+s5], $0x2000, $0x38;
	[tilespmem:$0x1C400] =	vst v63  }
0xcc: {  	_ =	swait.ge [sflag:s20], $0x2000  }
0xcd: {  	[sflag:s20] =	ssyncset.done $0x0  }
0xce: {  	[sflag:s20] =	ssyncadd.s32 $0xFFFFE000  }
0xcf: {  	_ =	swait.ge [sflag:s20], $0x2000  }
0xd0: {  	[sflag:s20] =	ssyncset.done $0x0  }
0xd1: {  	[sflag:s20] =	ssyncadd.s32 $0xFFFFE000  }
0xd2: {  	_ =	swait.ge [sflag:s20], $0x2000  }
0xd3: {  	[sflag:s20] =	ssyncset.done $0x0  }
0xd4: {  	s7 =	simm.s32 $0x0;
	[sflag:s20] =	ssyncadd.s32 $0xFFFFE000  }
0xd5: {  	v6 =	vld [tilespmem:s7+$0x0]  }
0xd6: {  	v7 =	vld [tilespmem:s7+$0x2000]  }
0xd7: {  	v8 =	vld [tilespmem:s7+$0x4000]  }
0xd8: {  	s5 =	simm.s32 $0x10  }
0xd9: {  	v10 =	vld [tilespmem:s5+$0x2000];
	_ =	sdelay $0x1  }
0xda: {  	v6 =	vsub.f32 v6, v4;
	v7 =	vsub.f32 v7, v5  }
0xdb: {  	v8 =	vsub.f32 v8, v3  }
0xdc: {  	v6 =	vmul.f32 v6, v1;
	v7 =	vmul.f32 v7, v2  }
0xdd: {  	v11 =	vsub.f32 v10, v5;
	v8 =	vmul.f32 v8, v0  }
0xde: {  	v12 =	vmin.f32 v6, v7;
	v13 =	vtrunc.f32 v6;
	v14 =	vtrunc.f32 v7  }
0xdf: {  	v6 =	vmax.f32 v6, v7;
	v7 =	vcvt.f32.s32 v13;
	v62 =	vcvt.f32.s32 v14  }
0xe0: {  	v9 =	vld [tilespmem:s5+$0x0];
	v12 =	vmin.f32 v12, v8;
	v6 =	vmax.f32 v6, v8;
	v8 =	vtrunc.f32 v8  }
0xe1: {  	s6 =	simm.s32 $0x20;
	v10 =	vld [tilespmem:s5+$0x4000];
	v8 =	vcvt.f32.s32 v8;
	v7 =	vshll.u32 v7, $0xE;
	v13 =	vshll.u32 v62, $0x7  }
0xe2: {  	vm1 =	vlt.f32 v6, $1.280000000e+02;
	v6 =	vld [tilespmem:s6+$0x0];
	v7 =	vadd.s32 v7, v13  }
0xe3: {  	v63 =	vadd.s32 v8, v7;
	v7 =	vld [tilespmem:s6+$0x2000];
	_ =	sdelay $0x1  }
0xe4: {  	v9 =	vsub.f32 v9, v4;
	vm0 =	vgt.f32 v12, $0.0e+00  }
0xe5: {  	v10 =	vsub.f32 v10, v3;
	vm0 =	vmand vm0, vm1  }
0xe6: {  	s8 =	simm.s32 $0xC0;
	v8 =	vmul.f32 v9, v1;
	v9 =	vmul.f32 v11, v2;
	v11 =	vnsel vm0, $0x200000, v63  }
.LBB2_8:
0xe7: {  	p0 =	sne.s32 s8, $0x7FC0;
	v12 =	vsub.f32 v6, v4;
	v13 =	vsub.f32 v7, v5;
	v10 =	vmul.f32 v10, v0;
	[tilespmem:s7+$0xC000] =	vst v11;
	s7 =	smov.u32 s5;
	s5 =	smov.u32 s6  }
0xe8: {  	s6 =	sshra.s32 s8, $0x2;
	v11 =	vld [tilespmem:s5+$0x4000];
	v14 =	vmin.f32 v8, v9;
	v7 =	vtrunc.f32 v8;
	v15 =	vtrunc.f32 v9  }
0xe9: {  	v8 =	vmax.f32 v8, v9;
	v6 =	vld [tilespmem:s6+$0x0];
	v9 =	vcvt.f32.s32 v7;
	v15 =	vcvt.f32.s32 v15  }
.Ltmp3:
0xea: {  	v14 =	vmin.f32 v14, v10;
	v8 =	vmax.f32 v8, v10;
	v10 =	vtrunc.f32 v10;
	v7 =	vld [tilespmem:s6+$0x2000];
	(pc) =	sbr.rel @p0 .LBB2_8-.Ltmp3, $4  }
0xeb: {  	v16 =	vcvt.f32.s32 v10;
	v9 =	vshll.u32 v9, $0xE;
	v10 =	vshll.u32 v15, $0x7  }
0xec: {  	vm0 =	vgt.f32 v14, $0.0e+00;
	vm1 =	vlt.f32 v8, $1.280000000e+02;
	v8 =	vadd.s32 v9, v10  }
0xed: {  	vm0 =	vmand vm0, vm1;
	v10 =	vsub.f32 v11, v3;
	v11 =	vadd.s32 v16, v8  }
0xee: {  	s8 =	sadd.s32 $0x40, s8;
	v9 =	vmul.f32 v13, v2;
	v8 =	vmul.f32 v12, v1;
	v11 =	vnsel vm0, $0x200000, v11  }
0xef: {  	v6 =	vsub.f32 v6, v4  }
0xf0: {  	[tilespmem:s7+$0xC000] =	vst v11;
	v7 =	vsub.f32 v7, v5;
	v10 =	vmul.f32 v10, v0;
	v12 =	vmin.f32 v8, v9  }
0xf1: {  	v11 =	vld [tilespmem:s6+$0x4000];
	v13 =	vtrunc.f32 v8;
	v14 =	vtrunc.f32 v9;
	v8 =	vmax.f32 v8, v9  }
0xf2: {  	v58 =	vcvt.f32.s32 v13;
	v59 =	vcvt.f32.s32 v14;
	v12 =	vmin.f32 v12, v10  }
0xf3: {  	v8 =	vmax.f32 v8, v10;
	v10 =	vtrunc.f32 v10;
	v6 =	vmul.f32 v6, v1  }
0xf4: {  	v7 =	vmul.f32 v7, v2;
	v10 =	vcvt.f32.s32 v10  }
0xf5: {  	vm0 =	vgt.f32 v12, $0.0e+00;
	vm1 =	vlt.f32 v8, $1.280000000e+02;
	v9 =	vshll.u32 v58, $0xE  }
0xf6: {  	v13 =	vshll.u32 v59, $0x7;
	vm0 =	vmand vm0, vm1;
	v8 =	vsub.f32 v11, v3  }
0xf7: {  	v60 =	vmin.f32 v6, v7;
	v61 =	vtrunc.f32 v6;
	v62 =	vtrunc.f32 v7  }
0xf8: {  	v6 =	vmax.f32 v6, v7;
	v9 =	vadd.s32 v9, v13;
	v8 =	vmul.f32 v8, v0  }
0xf9: {  	v7 =	vcvt.f32.s32 v61;
	v63 =	vcvt.f32.s32 v62;
	v9 =	vadd.s32 v10, v9  }
0xfa: {  	v10 =	vmin.f32 v60, v8;
	v6 =	vmax.f32 v6, v8;
	v8 =	vtrunc.f32 v8  }
0xfb: {  	v7 =	vshll.u32 v7, $0xE;
	v11 =	vshll.u32 v63, $0x7;
	v8 =	vcvt.f32.s32 v8  }
0xfc: {  	vm14 =	vgt.f32 v10, $0.0e+00;
	vm2 =	vlt.f32 v6, $1.280000000e+02;
	v6 =	vadd.s32 v7, v11  }
0xfd: {  	v7 =	vnsel vm0, $0x200000, v9;
	vm15 =	vmand vm14, vm2;
	v6 =	vadd.s32 v8, v6  }
0xfe: {  	[tilespmem:s5+$0xC000] =	vst v7;
	v6 =	vnsel vm15, $0x200000, v6  }
0xff: {  	[tilespmem:s6+$0xC000] =	vst v6  }
0x100: {  	[tilespmem:s22], [sflag:$0x3] =	stream.indirect.gather [hbm4b:s12+s15], $0x1, s21, s15, $0xb8;
	[tilespmem:$0x1C400] =	vst v63  }
0x101: {  	_ =	swait.ge [sflag:s30], $0x2000  }
0x102: {  	[sflag:s30] =	ssyncset.done $0x0  }
0x103: {  	s5 =	simm.s32 $0x0;
	[sflag:s30] =	ssyncadd.s32 $0xFFFFE000  }
0x104: {  	v6 =	vld [tilespmem:s5+$0x12000]  }
0x105: {  	s6 =	simm.s32 $0x40  }
.LBB2_10:
0x106: {  	p0 =	sne.s32 s6, $0x7FC0  }
.Ltmp4:
0x107: {  	_ = 	snop;
	(pc) =	sbr.rel @p0 .LBB2_10-.Ltmp4, $4  }
0x108: {  	_ = 	snop  }
0x109: {  	s7 =	sshra.s32 s6, $0x2;
	s6 =	sadd.s32 $0x40, s6;
	v7 =	vand.u32 $0x7FFFFFFF, v6;
	v8 =	vshrl.u32 v6, $0x1F  }
0x10a: {  	v6 =	vld [tilespmem:s7+$0x12000];
	[tilespmem:s5+$0x1A000] =	vst v8  }
0x10b: {  	[tilespmem:s5+$0x16000] =	vst v7;
	s5 =	smov.u32 s7  }
0x10c: {  	_ =	sdelay $0x2  }
0x10d: {  	v7 =	vshrl.u32 v6, $0x1F  }
0x10e: {  	v6 =	vand.u32 $0x7FFFFFFF, v6;
	[tilespmem:s5+$0x1A000] =	vst v7  }
0x10f: {  	s6 =	rddreg [dreg:$0xd];
	[tilespmem:s5+$0x16000] =	vst v6;
	s5 =	simm.s32 $0x0  }
0x110: {  	[hbm4b:s6+s5] =	stream.linear.scatter [tilespmem:s31], [sflag:$0x6], $0x2000, $0x38;
	[tilespmem:$0x1C400] =	vst v63  }
0x111: {  	s7 =	rddreg [dreg:$0xe]  }
0x112: {  	[hbm4b:s7+s5] =	stream.linear.scatter [tilespmem:s0], [sflag:$0x6], $0x2000, $0x38;
	[tilespmem:$0x1C400] =	vst v63  }
0x113: {  	s8 =	rddreg [dreg:$0x13]  }
0x114: {  	[tilespmem:s5], [sflag:$0x1] =	stream.linear.gather [hbm4b:s8+s5], $0x2000, $0x38;
	[tilespmem:$0x1C400] =	vst v63  }
0x115: {  	s7 =	rddreg [dreg:$0x14]  }
0x116: {  	[tilespmem:s15], [sflag:$0x1] =	stream.linear.gather [hbm4b:s7+s5], $0x2000, $0x38;
	[tilespmem:$0x1C400] =	vst v63  }
0x117: {  	s8 =	rddreg [dreg:$0x15]  }
0x118: {  	[tilespmem:s16], [sflag:$0x1] =	stream.linear.gather [hbm4b:s8+s5], $0x2000, $0x38;
	[tilespmem:$0x1C400] =	vst v63  }
0x119: {  	_ =	swait.ge [sflag:s23], $0x2000  }
0x11a: {  	[sflag:s23] =	ssyncset.done $0x0  }
0x11b: {  	[sflag:s23] =	ssyncadd.s32 $0xFFFFE000  }
0x11c: {  	_ =	swait.ge [sflag:s23], $0x2000  }
0x11d: {  	[sflag:s23] =	ssyncset.done $0x0  }
0x11e: {  	[sflag:s23] =	ssyncadd.s32 $0xFFFFE000  }
0x11f: {  	_ =	swait.ge [sflag:s23], $0x2000  }
0x120: {  	[sflag:s23] =	ssyncset.done $0x0  }
0x121: {  	s7 =	simm.s32 $0x0;
	[sflag:s23] =	ssyncadd.s32 $0xFFFFE000  }
0x122: {  	v6 =	vld [tilespmem:s7+$0x6000]  }
0x123: {  	v7 =	vld [tilespmem:s7+$0x8000]  }
0x124: {  	v8 =	vld [tilespmem:s7+$0xA000]  }
0x125: {  	s5 =	simm.s32 $0x10  }
0x126: {  	v10 =	vld [tilespmem:s5+$0x8000];
	_ =	sdelay $0x1  }
0x127: {  	v6 =	vsub.f32 v6, v4;
	v7 =	vsub.f32 v7, v5  }
0x128: {  	v8 =	vsub.f32 v8, v3  }
0x129: {  	v6 =	vmul.f32 v6, v1;
	v7 =	vmul.f32 v7, v2  }
0x12a: {  	v11 =	vsub.f32 v10, v5;
	v8 =	vmul.f32 v8, v0  }
0x12b: {  	v12 =	vmin.f32 v6, v7;
	v13 =	vtrunc.f32 v6;
	v14 =	vtrunc.f32 v7  }
0x12c: {  	v6 =	vmax.f32 v6, v7;
	v7 =	vcvt.f32.s32 v13;
	v62 =	vcvt.f32.s32 v14  }
0x12d: {  	v9 =	vld [tilespmem:s5+$0x6000];
	v12 =	vmin.f32 v12, v8;
	v6 =	vmax.f32 v6, v8;
	v8 =	vtrunc.f32 v8  }
0x12e: {  	s6 =	simm.s32 $0x20;
	v10 =	vld [tilespmem:s5+$0xA000];
	v8 =	vcvt.f32.s32 v8;
	v7 =	vshll.u32 v7, $0xE;
	v13 =	vshll.u32 v62, $0x7  }
0x12f: {  	vm1 =	vlt.f32 v6, $1.280000000e+02;
	v6 =	vld [tilespmem:s6+$0x6000];
	v7 =	vadd.s32 v7, v13  }
0x130: {  	v63 =	vadd.s32 v8, v7;
	v7 =	vld [tilespmem:s6+$0x8000];
	_ =	sdelay $0x1  }
0x131: {  	v9 =	vsub.f32 v9, v4;
	vm0 =	vgt.f32 v12, $0.0e+00  }
0x132: {  	v10 =	vsub.f32 v10, v3;
	vm0 =	vmand vm0, vm1  }
0x133: {  	s8 =	simm.s32 $0xC0;
	v8 =	vmul.f32 v9, v1;
	v9 =	vmul.f32 v11, v2;
	v11 =	vnsel vm0, $0x200000, v63  }
.LBB2_12:
0x134: {  	p0 =	sne.s32 s8, $0x7FC0;
	v12 =	vsub.f32 v6, v4;
	v13 =	vsub.f32 v7, v5;
	v10 =	vmul.f32 v10, v0;
	[tilespmem:s7+$0xE000] =	vst v11;
	s7 =	smov.u32 s5;
	s5 =	smov.u32 s6  }
0x135: {  	s6 =	sshra.s32 s8, $0x2;
	v11 =	vld [tilespmem:s5+$0xA000];
	v14 =	vmin.f32 v8, v9;
	v7 =	vtrunc.f32 v8;
	v15 =	vtrunc.f32 v9  }
0x136: {  	v8 =	vmax.f32 v8, v9;
	v6 =	vld [tilespmem:s6+$0x6000];
	v9 =	vcvt.f32.s32 v7;
	v15 =	vcvt.f32.s32 v15  }
.Ltmp5:
0x137: {  	v14 =	vmin.f32 v14, v10;
	v8 =	vmax.f32 v8, v10;
	v10 =	vtrunc.f32 v10;
	v7 =	vld [tilespmem:s6+$0x8000];
	(pc) =	sbr.rel @p0 .LBB2_12-.Ltmp5, $4  }
0x138: {  	v16 =	vcvt.f32.s32 v10;
	v9 =	vshll.u32 v9, $0xE;
	v10 =	vshll.u32 v15, $0x7  }
0x139: {  	vm0 =	vgt.f32 v14, $0.0e+00;
	vm1 =	vlt.f32 v8, $1.280000000e+02;
	v8 =	vadd.s32 v9, v10  }
0x13a: {  	vm0 =	vmand vm0, vm1;
	v10 =	vsub.f32 v11, v3;
	v11 =	vadd.s32 v16, v8  }
0x13b: {  	s8 =	sadd.s32 $0x40, s8;
	v9 =	vmul.f32 v13, v2;
	v8 =	vmul.f32 v12, v1;
	v11 =	vnsel vm0, $0x200000, v11  }
0x13c: {  	v6 =	vsub.f32 v6, v4  }
0x13d: {  	[tilespmem:s7+$0xE000] =	vst v11;
	v7 =	vsub.f32 v7, v5;
	v10 =	vmul.f32 v10, v0;
	v12 =	vmin.f32 v8, v9  }
0x13e: {  	v11 =	vld [tilespmem:s6+$0xA000];
	v13 =	vtrunc.f32 v8;
	v14 =	vtrunc.f32 v9;
	v8 =	vmax.f32 v8, v9  }
0x13f: {  	v58 =	vcvt.f32.s32 v13;
	v59 =	vcvt.f32.s32 v14;
	v12 =	vmin.f32 v12, v10  }
0x140: {  	v8 =	vmax.f32 v8, v10;
	v10 =	vtrunc.f32 v10;
	v6 =	vmul.f32 v6, v1  }
0x141: {  	v7 =	vmul.f32 v7, v2;
	v10 =	vcvt.f32.s32 v10  }
0x142: {  	vm0 =	vgt.f32 v12, $0.0e+00;
	vm1 =	vlt.f32 v8, $1.280000000e+02;
	v9 =	vshll.u32 v58, $0xE  }
0x143: {  	v13 =	vshll.u32 v59, $0x7;
	vm0 =	vmand vm0, vm1;
	v8 =	vsub.f32 v11, v3  }
0x144: {  	v60 =	vmin.f32 v6, v7;
	v61 =	vtrunc.f32 v6;
	v62 =	vtrunc.f32 v7  }
0x145: {  	v6 =	vmax.f32 v6, v7;
	v9 =	vadd.s32 v9, v13;
	v8 =	vmul.f32 v8, v0  }
0x146: {  	v7 =	vcvt.f32.s32 v61;
	v63 =	vcvt.f32.s32 v62;
	v9 =	vadd.s32 v10, v9  }
0x147: {  	v10 =	vmin.f32 v60, v8;
	v6 =	vmax.f32 v6, v8;
	v8 =	vtrunc.f32 v8  }
0x148: {  	v7 =	vshll.u32 v7, $0xE;
	v11 =	vshll.u32 v63, $0x7;
	v8 =	vcvt.f32.s32 v8  }
0x149: {  	vm14 =	vgt.f32 v10, $0.0e+00;
	vm2 =	vlt.f32 v6, $1.280000000e+02;
	v6 =	vadd.s32 v7, v11  }
0x14a: {  	v7 =	vnsel vm0, $0x200000, v9;
	vm15 =	vmand vm14, vm2;
	v6 =	vadd.s32 v8, v6  }
0x14b: {  	[tilespmem:s5+$0xE000] =	vst v7;
	v6 =	vnsel vm15, $0x200000, v6  }
0x14c: {  	[tilespmem:s6+$0xE000] =	vst v6  }
0x14d: {  	[tilespmem:s25], [sflag:$0x4] =	stream.indirect.gather [hbm4b:s12+s15], $0x1, s24, s15, $0xb8;
	[tilespmem:$0x1C400] =	vst v63  }
0x14e: {  	_ =	swait.ge [sflag:s26], $0x2000  }
0x14f: {  	[sflag:s26] =	ssyncset.done $0x0  }
0x150: {  	[sflag:s26] =	ssyncadd.s32 $0xFFFFE000  }
0x151: {  	_ =	swait.ge [sflag:s2], $0x2000  }
0x152: {  	[sflag:s2] =	ssyncset.done $0x0  }
0x153: {  	[sflag:s2] =	ssyncadd.s32 $0xFFFFE000  }
0x154: {  	_ =	swait.ge [sflag:s2], $0x2000  }
0x155: {  	[sflag:s2] =	ssyncset.done $0x0  }
0x156: {  	s5 =	simm.s32 $0x0;
	[sflag:s2] =	ssyncadd.s32 $0xFFFFE000  }
0x157: {  	v6 =	vld [tilespmem:s5+$0x10000]  }
0x158: {  	s6 =	simm.s32 $0x40  }
.LBB2_14:
0x159: {  	p0 =	sne.s32 s6, $0x7FC0  }
.Ltmp6:
0x15a: {  	_ = 	snop;
	(pc) =	sbr.rel @p0 .LBB2_14-.Ltmp6, $4  }
0x15b: {  	_ = 	snop  }
0x15c: {  	s7 =	sshra.s32 s6, $0x2;
	s6 =	sadd.s32 $0x40, s6;
	v7 =	vand.u32 $0x7FFFFFFF, v6;
	v8 =	vshrl.u32 v6, $0x1F  }
0x15d: {  	v6 =	vld [tilespmem:s7+$0x10000];
	[tilespmem:s5+$0x18000] =	vst v8  }
0x15e: {  	[tilespmem:s5+$0x14000] =	vst v7;
	s5 =	smov.u32 s7  }
0x15f: {  	_ =	sdelay $0x2  }
0x160: {  	v7 =	vshrl.u32 v6, $0x1F  }
0x161: {  	s6 =	rddreg [dreg:$0xf];
	v6 =	vand.u32 $0x7FFFFFFF, v6;
	[tilespmem:s5+$0x18000] =	vst v7  }
0x162: {  	s7 =	rddreg [dreg:$0x10];
	[tilespmem:s5+$0x14000] =	vst v6;
	s5 =	simm.s32 $0x0  }
0x163: {  	[hbm4b:s6+s5] =	stream.linear.scatter [tilespmem:s28], [sflag:$0x5], $0x2000, $0x38;
	[tilespmem:$0x1C400] =	vst v63  }
0x164: {  	s8 =	rddreg [dreg:$0x1d]  }
0x165: {  	[hbm4b:s7+s5] =	stream.linear.scatter [tilespmem:s29], [sflag:$0x5], $0x2000, $0x38;
	[tilespmem:$0x1C400] =	vst v63  }
0x166: {  	s7 =	sld [smem:$0x7F5]  }
0x167: {  	[tilespmem:s17], [sflag:$0x2] =	stream.linear.gather [hbm4b:s8+s5], $0x2000, $0x38;
	[tilespmem:$0x1C400] =	vst v63  }
0x168: {  	s8 =	sld [smem:$0x7F8]  }
0x169: {  	[tilespmem:s18], [sflag:$0x2] =	stream.linear.gather [hbm4b:s7+s5], $0x2000, $0x38;
	[tilespmem:$0x1C400] =	vst v63  }
0x16a: {  	_ = 	snop  }
0x16b: {  	[tilespmem:s19], [sflag:$0x2] =	stream.linear.gather [hbm4b:s8+s5], $0x2000, $0x38;
	[tilespmem:$0x1C400] =	vst v63  }
0x16c: {  	_ =	swait.ge [sflag:s20], $0x2000  }
0x16d: {  	[sflag:s20] =	ssyncset.done $0x0  }
0x16e: {  	[sflag:s20] =	ssyncadd.s32 $0xFFFFE000  }
0x16f: {  	_ =	swait.ge [sflag:s20], $0x2000  }
0x170: {  	[sflag:s20] =	ssyncset.done $0x0  }
0x171: {  	[sflag:s20] =	ssyncadd.s32 $0xFFFFE000  }
0x172: {  	_ =	swait.ge [sflag:s20], $0x2000  }
0x173: {  	[sflag:s20] =	ssyncset.done $0x0  }
0x174: {  	s7 =	simm.s32 $0x0;
	[sflag:s20] =	ssyncadd.s32 $0xFFFFE000  }
0x175: {  	v6 =	vld [tilespmem:s7+$0x0]  }
0x176: {  	v7 =	vld [tilespmem:s7+$0x2000]  }
0x177: {  	v8 =	vld [tilespmem:s7+$0x4000]  }
0x178: {  	s5 =	simm.s32 $0x10  }
0x179: {  	v10 =	vld [tilespmem:s5+$0x2000];
	_ =	sdelay $0x1  }
0x17a: {  	v6 =	vsub.f32 v6, v4;
	v7 =	vsub.f32 v7, v5  }
0x17b: {  	v8 =	vsub.f32 v8, v3  }
0x17c: {  	v6 =	vmul.f32 v6, v1;
	v7 =	vmul.f32 v7, v2  }
0x17d: {  	v11 =	vsub.f32 v10, v5;
	v8 =	vmul.f32 v8, v0  }
0x17e: {  	v12 =	vmin.f32 v6, v7;
	v13 =	vtrunc.f32 v6;
	v14 =	vtrunc.f32 v7  }
0x17f: {  	v6 =	vmax.f32 v6, v7;
	v7 =	vcvt.f32.s32 v13;
	v62 =	vcvt.f32.s32 v14  }
0x180: {  	v9 =	vld [tilespmem:s5+$0x0];
	v12 =	vmin.f32 v12, v8;
	v6 =	vmax.f32 v6, v8;
	v8 =	vtrunc.f32 v8  }
0x181: {  	s6 =	simm.s32 $0x20;
	v10 =	vld [tilespmem:s5+$0x4000];
	v8 =	vcvt.f32.s32 v8;
	v7 =	vshll.u32 v7, $0xE;
	v13 =	vshll.u32 v62, $0x7  }
0x182: {  	vm1 =	vlt.f32 v6, $1.280000000e+02;
	v6 =	vld [tilespmem:s6+$0x0];
	v7 =	vadd.s32 v7, v13  }
0x183: {  	v63 =	vadd.s32 v8, v7;
	v7 =	vld [tilespmem:s6+$0x2000];
	_ =	sdelay $0x1  }
0x184: {  	v9 =	vsub.f32 v9, v4;
	vm0 =	vgt.f32 v12, $0.0e+00  }
0x185: {  	v10 =	vsub.f32 v10, v3;
	vm0 =	vmand vm0, vm1  }
0x186: {  	s8 =	simm.s32 $0xC0;
	v8 =	vmul.f32 v9, v1;
	v9 =	vmul.f32 v11, v2;
	v11 =	vnsel vm0, $0x200000, v63  }
.LBB2_16:
0x187: {  	p0 =	sne.s32 s8, $0x7FC0;
	v12 =	vsub.f32 v6, v4;
	v13 =	vsub.f32 v7, v5;
	v10 =	vmul.f32 v10, v0;
	[tilespmem:s7+$0xC000] =	vst v11;
	s7 =	smov.u32 s5;
	s5 =	smov.u32 s6  }
0x188: {  	s6 =	sshra.s32 s8, $0x2;
	v11 =	vld [tilespmem:s5+$0x4000];
	v14 =	vmin.f32 v8, v9;
	v7 =	vtrunc.f32 v8;
	v15 =	vtrunc.f32 v9  }
0x189: {  	v8 =	vmax.f32 v8, v9;
	v6 =	vld [tilespmem:s6+$0x0];
	v9 =	vcvt.f32.s32 v7;
	v15 =	vcvt.f32.s32 v15  }
.Ltmp7:
0x18a: {  	v14 =	vmin.f32 v14, v10;
	v8 =	vmax.f32 v8, v10;
	v10 =	vtrunc.f32 v10;
	v7 =	vld [tilespmem:s6+$0x2000];
	(pc) =	sbr.rel @p0 .LBB2_16-.Ltmp7, $4  }
0x18b: {  	v16 =	vcvt.f32.s32 v10;
	v9 =	vshll.u32 v9, $0xE;
	v10 =	vshll.u32 v15, $0x7  }
0x18c: {  	vm0 =	vgt.f32 v14, $0.0e+00;
	vm1 =	vlt.f32 v8, $1.280000000e+02;
	v8 =	vadd.s32 v9, v10  }
0x18d: {  	vm0 =	vmand vm0, vm1;
	v10 =	vsub.f32 v11, v3;
	v11 =	vadd.s32 v16, v8  }
0x18e: {  	s8 =	sadd.s32 $0x40, s8;
	v9 =	vmul.f32 v13, v2;
	v8 =	vmul.f32 v12, v1;
	v11 =	vnsel vm0, $0x200000, v11  }
0x18f: {  	v6 =	vsub.f32 v6, v4  }
0x190: {  	[tilespmem:s7+$0xC000] =	vst v11;
	v7 =	vsub.f32 v7, v5;
	v10 =	vmul.f32 v10, v0;
	v12 =	vmin.f32 v8, v9  }
0x191: {  	v11 =	vld [tilespmem:s6+$0x4000];
	v13 =	vtrunc.f32 v8;
	v14 =	vtrunc.f32 v9;
	v8 =	vmax.f32 v8, v9  }
0x192: {  	v58 =	vcvt.f32.s32 v13;
	v59 =	vcvt.f32.s32 v14;
	v12 =	vmin.f32 v12, v10  }
0x193: {  	v8 =	vmax.f32 v8, v10;
	v10 =	vtrunc.f32 v10;
	v6 =	vmul.f32 v6, v1  }
0x194: {  	v7 =	vmul.f32 v7, v2;
	v10 =	vcvt.f32.s32 v10  }
0x195: {  	vm0 =	vgt.f32 v12, $0.0e+00;
	vm1 =	vlt.f32 v8, $1.280000000e+02;
	v9 =	vshll.u32 v58, $0xE  }
0x196: {  	v13 =	vshll.u32 v59, $0x7;
	vm0 =	vmand vm0, vm1;
	v8 =	vsub.f32 v11, v3  }
0x197: {  	v60 =	vmin.f32 v6, v7;
	v61 =	vtrunc.f32 v6;
	v62 =	vtrunc.f32 v7  }
0x198: {  	v6 =	vmax.f32 v6, v7;
	v9 =	vadd.s32 v9, v13;
	v8 =	vmul.f32 v8, v0  }
0x199: {  	v7 =	vcvt.f32.s32 v61;
	v63 =	vcvt.f32.s32 v62;
	v9 =	vadd.s32 v10, v9  }
0x19a: {  	v10 =	vmin.f32 v60, v8;
	v6 =	vmax.f32 v6, v8;
	v8 =	vtrunc.f32 v8  }
0x19b: {  	v7 =	vshll.u32 v7, $0xE;
	v11 =	vshll.u32 v63, $0x7;
	v8 =	vcvt.f32.s32 v8  }
0x19c: {  	vm14 =	vgt.f32 v10, $0.0e+00;
	vm2 =	vlt.f32 v6, $1.280000000e+02;
	v6 =	vadd.s32 v7, v11  }
0x19d: {  	v7 =	vnsel vm0, $0x200000, v9;
	vm15 =	vmand vm14, vm2;
	v6 =	vadd.s32 v8, v6  }
0x19e: {  	[tilespmem:s5+$0xC000] =	vst v7;
	v6 =	vnsel vm15, $0x200000, v6  }
0x19f: {  	[tilespmem:s6+$0xC000] =	vst v6  }
0x1a0: {  	[tilespmem:s22], [sflag:$0x3] =	stream.indirect.gather [hbm4b:s12+s15], $0x1, s21, s15, $0xb8;
	[tilespmem:$0x1C400] =	vst v63  }
0x1a1: {  	_ =	swait.ge [sflag:s30], $0x2000  }
0x1a2: {  	[sflag:s30] =	ssyncset.done $0x0  }
0x1a3: {  	[sflag:s30] =	ssyncadd.s32 $0xFFFFE000  }
0x1a4: {  	_ =	swait.ge [sflag:s3], $0x2000  }
0x1a5: {  	[sflag:s3] =	ssyncset.done $0x0  }
0x1a6: {  	[sflag:s3] =	ssyncadd.s32 $0xFFFFE000  }
0x1a7: {  	_ =	swait.ge [sflag:s3], $0x2000  }
0x1a8: {  	[sflag:s3] =	ssyncset.done $0x0  }
0x1a9: {  	s5 =	simm.s32 $0x0;
	[sflag:s3] =	ssyncadd.s32 $0xFFFFE000  }
0x1aa: {  	v6 =	vld [tilespmem:s5+$0x12000]  }
0x1ab: {  	s6 =	simm.s32 $0x40  }
.LBB2_18:
0x1ac: {  	p0 =	sne.s32 s6, $0x7FC0  }
.Ltmp8:
0x1ad: {  	_ = 	snop;
	(pc) =	sbr.rel @p0 .LBB2_18-.Ltmp8, $4  }
0x1ae: {  	_ = 	snop  }
0x1af: {  	s7 =	sshra.s32 s6, $0x2;
	s6 =	sadd.s32 $0x40, s6;
	v7 =	vand.u32 $0x7FFFFFFF, v6;
	v8 =	vshrl.u32 v6, $0x1F  }
0x1b0: {  	v6 =	vld [tilespmem:s7+$0x12000];
	[tilespmem:s5+$0x1A000] =	vst v8  }
0x1b1: {  	[tilespmem:s5+$0x16000] =	vst v7;
	s5 =	smov.u32 s7  }
0x1b2: {  	_ =	sdelay $0x2  }
0x1b3: {  	v7 =	vshrl.u32 v6, $0x1F  }
0x1b4: {  	s6 =	rddreg [dreg:$0x11];
	v6 =	vand.u32 $0x7FFFFFFF, v6;
	[tilespmem:s5+$0x1A000] =	vst v7  }
0x1b5: {  	s7 =	rddreg [dreg:$0x12];
	[tilespmem:s5+$0x16000] =	vst v6;
	s5 =	simm.s32 $0x0  }
0x1b6: {  	[hbm4b:s6+s5] =	stream.linear.scatter [tilespmem:s31], [sflag:$0x6], $0x2000, $0x38;
	[tilespmem:$0x1C400] =	vst v63  }
0x1b7: {  	s8 =	rddreg [dreg:$0x1e]  }
0x1b8: {  	[hbm4b:s7+s5] =	stream.linear.scatter [tilespmem:s0], [sflag:$0x6], $0x2000, $0x38;
	[tilespmem:$0x1C400] =	vst v63  }
0x1b9: {  	s7 =	sld [smem:$0x7F6]  }
0x1ba: {  	[tilespmem:s5], [sflag:$0x1] =	stream.linear.gather [hbm4b:s8+s5], $0x2000, $0x38;
	[tilespmem:$0x1C400] =	vst v63  }
0x1bb: {  	s8 =	sld [smem:$0x7F9]  }
0x1bc: {  	[tilespmem:s15], [sflag:$0x1] =	stream.linear.gather [hbm4b:s7+s5], $0x2000, $0x38;
	[tilespmem:$0x1C400] =	vst v63  }
0x1bd: {  	_ = 	snop  }
0x1be: {  	[tilespmem:s16], [sflag:$0x1] =	stream.linear.gather [hbm4b:s8+s5], $0x2000, $0x38;
	[tilespmem:$0x1C400] =	vst v63  }
0x1bf: {  	_ =	swait.ge [sflag:s23], $0x2000  }
0x1c0: {  	[sflag:s23] =	ssyncset.done $0x0  }
0x1c1: {  	[sflag:s23] =	ssyncadd.s32 $0xFFFFE000  }
0x1c2: {  	_ =	swait.ge [sflag:s23], $0x2000  }
0x1c3: {  	[sflag:s23] =	ssyncset.done $0x0  }
0x1c4: {  	[sflag:s23] =	ssyncadd.s32 $0xFFFFE000  }
0x1c5: {  	_ =	swait.ge [sflag:s23], $0x2000  }
0x1c6: {  	[sflag:s23] =	ssyncset.done $0x0  }
0x1c7: {  	s7 =	simm.s32 $0x0;
	[sflag:s23] =	ssyncadd.s32 $0xFFFFE000  }
0x1c8: {  	v6 =	vld [tilespmem:s7+$0x6000]  }
0x1c9: {  	v7 =	vld [tilespmem:s7+$0x8000]  }
0x1ca: {  	v8 =	vld [tilespmem:s7+$0xA000]  }
0x1cb: {  	s5 =	simm.s32 $0x10  }
0x1cc: {  	v10 =	vld [tilespmem:s5+$0x8000];
	_ =	sdelay $0x1  }
0x1cd: {  	v6 =	vsub.f32 v6, v4;
	v7 =	vsub.f32 v7, v5  }
0x1ce: {  	v8 =	vsub.f32 v8, v3  }
0x1cf: {  	v6 =	vmul.f32 v6, v1;
	v7 =	vmul.f32 v7, v2  }
0x1d0: {  	v11 =	vsub.f32 v10, v5;
	v8 =	vmul.f32 v8, v0  }
0x1d1: {  	v12 =	vmin.f32 v6, v7;
	v13 =	vtrunc.f32 v6;
	v14 =	vtrunc.f32 v7  }
0x1d2: {  	v6 =	vmax.f32 v6, v7;
	v7 =	vcvt.f32.s32 v13;
	v62 =	vcvt.f32.s32 v14  }
0x1d3: {  	v9 =	vld [tilespmem:s5+$0x6000];
	v12 =	vmin.f32 v12, v8;
	v6 =	vmax.f32 v6, v8;
	v8 =	vtrunc.f32 v8  }
0x1d4: {  	s6 =	simm.s32 $0x20;
	v10 =	vld [tilespmem:s5+$0xA000];
	v8 =	vcvt.f32.s32 v8;
	v7 =	vshll.u32 v7, $0xE;
	v13 =	vshll.u32 v62, $0x7  }
0x1d5: {  	vm1 =	vlt.f32 v6, $1.280000000e+02;
	v6 =	vld [tilespmem:s6+$0x6000];
	v7 =	vadd.s32 v7, v13  }
0x1d6: {  	v63 =	vadd.s32 v8, v7;
	v7 =	vld [tilespmem:s6+$0x8000];
	_ =	sdelay $0x1  }
0x1d7: {  	v9 =	vsub.f32 v9, v4;
	vm0 =	vgt.f32 v12, $0.0e+00  }
0x1d8: {  	v10 =	vsub.f32 v10, v3;
	vm0 =	vmand vm0, vm1  }
0x1d9: {  	s8 =	simm.s32 $0xC0;
	v8 =	vmul.f32 v9, v1;
	v9 =	vmul.f32 v11, v2;
	v11 =	vnsel vm0, $0x200000, v63  }
.LBB2_20:
0x1da: {  	p0 =	sne.s32 s8, $0x7FC0;
	v12 =	vsub.f32 v6, v4;
	v13 =	vsub.f32 v7, v5;
	v10 =	vmul.f32 v10, v0;
	[tilespmem:s7+$0xE000] =	vst v11;
	s7 =	smov.u32 s5;
	s5 =	smov.u32 s6  }
0x1db: {  	s6 =	sshra.s32 s8, $0x2;
	v11 =	vld [tilespmem:s5+$0xA000];
	v14 =	vmin.f32 v8, v9;
	v7 =	vtrunc.f32 v8;
	v15 =	vtrunc.f32 v9  }
0x1dc: {  	v8 =	vmax.f32 v8, v9;
	v6 =	vld [tilespmem:s6+$0x6000];
	v9 =	vcvt.f32.s32 v7;
	v15 =	vcvt.f32.s32 v15  }
.Ltmp9:
0x1dd: {  	v14 =	vmin.f32 v14, v10;
	v8 =	vmax.f32 v8, v10;
	v10 =	vtrunc.f32 v10;
	v7 =	vld [tilespmem:s6+$0x8000];
	(pc) =	sbr.rel @p0 .LBB2_20-.Ltmp9, $4  }
0x1de: {  	v16 =	vcvt.f32.s32 v10;
	v9 =	vshll.u32 v9, $0xE;
	v10 =	vshll.u32 v15, $0x7  }
0x1df: {  	vm0 =	vgt.f32 v14, $0.0e+00;
	vm1 =	vlt.f32 v8, $1.280000000e+02;
	v8 =	vadd.s32 v9, v10  }
0x1e0: {  	vm0 =	vmand vm0, vm1;
	v10 =	vsub.f32 v11, v3;
	v11 =	vadd.s32 v16, v8  }
0x1e1: {  	s8 =	sadd.s32 $0x40, s8;
	v9 =	vmul.f32 v13, v2;
	v8 =	vmul.f32 v12, v1;
	v11 =	vnsel vm0, $0x200000, v11  }
0x1e2: {  	v6 =	vsub.f32 v6, v4  }
0x1e3: {  	[tilespmem:s7+$0xE000] =	vst v11;
	v7 =	vsub.f32 v7, v5;
	v10 =	vmul.f32 v10, v0;
	v12 =	vmin.f32 v8, v9  }
0x1e4: {  	v11 =	vld [tilespmem:s6+$0xA000];
	v13 =	vtrunc.f32 v8;
	v14 =	vtrunc.f32 v9;
	v8 =	vmax.f32 v8, v9  }
0x1e5: {  	v58 =	vcvt.f32.s32 v13;
	v59 =	vcvt.f32.s32 v14;
	v12 =	vmin.f32 v12, v10  }
0x1e6: {  	v8 =	vmax.f32 v8, v10;
	v10 =	vtrunc.f32 v10;
	v6 =	vmul.f32 v6, v1  }
0x1e7: {  	v7 =	vmul.f32 v7, v2;
	v10 =	vcvt.f32.s32 v10  }
0x1e8: {  	vm0 =	vgt.f32 v12, $0.0e+00;
	vm1 =	vlt.f32 v8, $1.280000000e+02;
	v9 =	vshll.u32 v58, $0xE  }
0x1e9: {  	v13 =	vshll.u32 v59, $0x7;
	vm0 =	vmand vm0, vm1;
	v8 =	vsub.f32 v11, v3  }
0x1ea: {  	v60 =	vmin.f32 v6, v7;
	v61 =	vtrunc.f32 v6;
	v62 =	vtrunc.f32 v7  }
0x1eb: {  	v6 =	vmax.f32 v6, v7;
	v9 =	vadd.s32 v9, v13;
	v8 =	vmul.f32 v8, v0  }
0x1ec: {  	v7 =	vcvt.f32.s32 v61;
	v63 =	vcvt.f32.s32 v62;
	v9 =	vadd.s32 v10, v9  }
0x1ed: {  	v10 =	vmin.f32 v60, v8;
	v6 =	vmax.f32 v6, v8;
	v8 =	vtrunc.f32 v8  }
0x1ee: {  	v7 =	vshll.u32 v7, $0xE;
	v11 =	vshll.u32 v63, $0x7;
	v8 =	vcvt.f32.s32 v8  }
0x1ef: {  	vm14 =	vgt.f32 v10, $0.0e+00;
	vm2 =	vlt.f32 v6, $1.280000000e+02;
	v6 =	vadd.s32 v7, v11  }
0x1f0: {  	v7 =	vnsel vm0, $0x200000, v9;
	vm15 =	vmand vm14, vm2;
	v6 =	vadd.s32 v8, v6  }
0x1f1: {  	[tilespmem:s5+$0xE000] =	vst v7;
	v6 =	vnsel vm15, $0x200000, v6  }
0x1f2: {  	[tilespmem:s6+$0xE000] =	vst v6  }
0x1f3: {  	[tilespmem:s25], [sflag:$0x4] =	stream.indirect.gather [hbm4b:s12+s15], $0x1, s24, s15, $0xb8;
	[tilespmem:$0x1C400] =	vst v63  }
0x1f4: {  	_ =	swait.ge [sflag:s26], $0x2000  }
0x1f5: {  	[sflag:s26] =	ssyncset.done $0x0  }
0x1f6: {  	[sflag:s26] =	ssyncadd.s32 $0xFFFFE000  }
0x1f7: {  	_ =	swait.ge [sflag:s2], $0x2000  }
0x1f8: {  	[sflag:s2] =	ssyncset.done $0x0  }
0x1f9: {  	[sflag:s2] =	ssyncadd.s32 $0xFFFFE000  }
0x1fa: {  	_ =	swait.ge [sflag:s2], $0x2000  }
0x1fb: {  	[sflag:s2] =	ssyncset.done $0x0  }
0x1fc: {  	s5 =	simm.s32 $0x0;
	[sflag:s2] =	ssyncadd.s32 $0xFFFFE000  }
0x1fd: {  	v6 =	vld [tilespmem:s5+$0x10000]  }
0x1fe: {  	s6 =	simm.s32 $0x40  }
.LBB2_22:
0x1ff: {  	p0 =	sne.s32 s6, $0x7FC0  }
.Ltmp10:
0x200: {  	_ = 	snop;
	(pc) =	sbr.rel @p0 .LBB2_22-.Ltmp10, $4  }
0x201: {  	_ = 	snop  }
0x202: {  	s7 =	sshra.s32 s6, $0x2;
	s6 =	sadd.s32 $0x40, s6;
	v7 =	vand.u32 $0x7FFFFFFF, v6;
	v8 =	vshrl.u32 v6, $0x1F  }
0x203: {  	v6 =	vld [tilespmem:s7+$0x10000];
	[tilespmem:s5+$0x18000] =	vst v8  }
0x204: {  	[tilespmem:s5+$0x14000] =	vst v7;
	s5 =	smov.u32 s7  }
0x205: {  	_ =	sdelay $0x2  }
0x206: {  	v7 =	vshrl.u32 v6, $0x1F  }
0x207: {  	s6 =	rddreg [dreg:$0x16];
	v6 =	vand.u32 $0x7FFFFFFF, v6;
	[tilespmem:s5+$0x18000] =	vst v7  }
0x208: {  	s7 =	rddreg [dreg:$0x17];
	[tilespmem:s5+$0x14000] =	vst v6;
	s5 =	simm.s32 $0x0  }
0x209: {  	[hbm4b:s6+s5] =	stream.linear.scatter [tilespmem:s28], [sflag:$0x5], $0x2000, $0x38;
	[tilespmem:$0x1C400] =	vst v63  }
0x20a: {  	s8 =	rddreg [dreg:$0x1f]  }
0x20b: {  	[hbm4b:s7+s5] =	stream.linear.scatter [tilespmem:s29], [sflag:$0x5], $0x2000, $0x38;
	[tilespmem:$0x1C400] =	vst v63  }
0x20c: {  	s7 =	sld [smem:$0x7F7]  }
0x20d: {  	[tilespmem:s17], [sflag:$0x2] =	stream.linear.gather [hbm4b:s8+s5], $0x2000, $0x38;
	[tilespmem:$0x1C400] =	vst v63  }
0x20e: {  	s8 =	sld [smem:$0x7FA]  }
0x20f: {  	[tilespmem:s18], [sflag:$0x2] =	stream.linear.gather [hbm4b:s7+s5], $0x2000, $0x38;
	[tilespmem:$0x1C400] =	vst v63  }
0x210: {  	_ = 	snop  }
0x211: {  	[tilespmem:s19], [sflag:$0x2] =	stream.linear.gather [hbm4b:s8+s5], $0x2000, $0x38;
	[tilespmem:$0x1C400] =	vst v63  }
0x212: {  	_ =	swait.ge [sflag:s20], $0x2000  }
0x213: {  	[sflag:s20] =	ssyncset.done $0x0  }
0x214: {  	[sflag:s20] =	ssyncadd.s32 $0xFFFFE000  }
0x215: {  	_ =	swait.ge [sflag:s20], $0x2000  }
0x216: {  	[sflag:s20] =	ssyncset.done $0x0  }
0x217: {  	[sflag:s20] =	ssyncadd.s32 $0xFFFFE000  }
0x218: {  	_ =	swait.ge [sflag:s20], $0x2000  }
0x219: {  	[sflag:s20] =	ssyncset.done $0x0  }
0x21a: {  	s7 =	simm.s32 $0x0;
	[sflag:s20] =	ssyncadd.s32 $0xFFFFE000  }
0x21b: {  	v6 =	vld [tilespmem:s7+$0x0]  }
0x21c: {  	v7 =	vld [tilespmem:s7+$0x2000]  }
0x21d: {  	v8 =	vld [tilespmem:s7+$0x4000]  }
0x21e: {  	s5 =	simm.s32 $0x10  }
0x21f: {  	v10 =	vld [tilespmem:s5+$0x2000];
	_ =	sdelay $0x1  }
0x220: {  	v6 =	vsub.f32 v6, v4;
	v7 =	vsub.f32 v7, v5  }
0x221: {  	v8 =	vsub.f32 v8, v3  }
0x222: {  	v6 =	vmul.f32 v6, v1;
	v7 =	vmul.f32 v7, v2  }
0x223: {  	v11 =	vsub.f32 v10, v5;
	v8 =	vmul.f32 v8, v0  }
0x224: {  	v12 =	vmin.f32 v6, v7;
	v13 =	vtrunc.f32 v6;
	v14 =	vtrunc.f32 v7  }
0x225: {  	v6 =	vmax.f32 v6, v7;
	v7 =	vcvt.f32.s32 v13;
	v62 =	vcvt.f32.s32 v14  }
0x226: {  	v9 =	vld [tilespmem:s5+$0x0];
	v12 =	vmin.f32 v12, v8;
	v6 =	vmax.f32 v6, v8;
	v8 =	vtrunc.f32 v8  }
0x227: {  	s6 =	simm.s32 $0x20;
	v10 =	vld [tilespmem:s5+$0x4000];
	v8 =	vcvt.f32.s32 v8;
	v7 =	vshll.u32 v7, $0xE;
	v13 =	vshll.u32 v62, $0x7  }
0x228: {  	vm1 =	vlt.f32 v6, $1.280000000e+02;
	v6 =	vld [tilespmem:s6+$0x0];
	v7 =	vadd.s32 v7, v13  }
0x229: {  	v63 =	vadd.s32 v8, v7;
	v7 =	vld [tilespmem:s6+$0x2000];
	_ =	sdelay $0x1  }
0x22a: {  	v9 =	vsub.f32 v9, v4;
	vm0 =	vgt.f32 v12, $0.0e+00  }
0x22b: {  	v10 =	vsub.f32 v10, v3;
	vm0 =	vmand vm0, vm1  }
0x22c: {  	s8 =	simm.s32 $0xC0;
	v8 =	vmul.f32 v9, v1;
	v9 =	vmul.f32 v11, v2;
	v11 =	vnsel vm0, $0x200000, v63  }
.LBB2_24:
0x22d: {  	p0 =	sne.s32 s8, $0x7FC0;
	v12 =	vsub.f32 v6, v4;
	v13 =	vsub.f32 v7, v5;
	v10 =	vmul.f32 v10, v0;
	[tilespmem:s7+$0xC000] =	vst v11;
	s7 =	smov.u32 s5;
	s5 =	smov.u32 s6  }
0x22e: {  	s6 =	sshra.s32 s8, $0x2;
	v11 =	vld [tilespmem:s5+$0x4000];
	v14 =	vmin.f32 v8, v9;
	v7 =	vtrunc.f32 v8;
	v15 =	vtrunc.f32 v9  }
0x22f: {  	v8 =	vmax.f32 v8, v9;
	v6 =	vld [tilespmem:s6+$0x0];
	v9 =	vcvt.f32.s32 v7;
	v15 =	vcvt.f32.s32 v15  }
.Ltmp11:
0x230: {  	v14 =	vmin.f32 v14, v10;
	v8 =	vmax.f32 v8, v10;
	v10 =	vtrunc.f32 v10;
	v7 =	vld [tilespmem:s6+$0x2000];
	(pc) =	sbr.rel @p0 .LBB2_24-.Ltmp11, $4  }
0x231: {  	v16 =	vcvt.f32.s32 v10;
	v9 =	vshll.u32 v9, $0xE;
	v10 =	vshll.u32 v15, $0x7  }
0x232: {  	vm0 =	vgt.f32 v14, $0.0e+00;
	vm1 =	vlt.f32 v8, $1.280000000e+02;
	v8 =	vadd.s32 v9, v10  }
0x233: {  	vm0 =	vmand vm0, vm1;
	v10 =	vsub.f32 v11, v3;
	v11 =	vadd.s32 v16, v8  }
0x234: {  	s8 =	sadd.s32 $0x40, s8;
	v9 =	vmul.f32 v13, v2;
	v8 =	vmul.f32 v12, v1;
	v11 =	vnsel vm0, $0x200000, v11  }
0x235: {  	v6 =	vsub.f32 v6, v4  }
0x236: {  	[tilespmem:s7+$0xC000] =	vst v11;
	v7 =	vsub.f32 v7, v5;
	v10 =	vmul.f32 v10, v0;
	v12 =	vmin.f32 v8, v9  }
0x237: {  	v11 =	vld [tilespmem:s6+$0x4000];
	v13 =	vtrunc.f32 v8;
	v14 =	vtrunc.f32 v9;
	v8 =	vmax.f32 v8, v9  }
0x238: {  	v58 =	vcvt.f32.s32 v13;
	v59 =	vcvt.f32.s32 v14;
	v12 =	vmin.f32 v12, v10  }
0x239: {  	v8 =	vmax.f32 v8, v10;
	v10 =	vtrunc.f32 v10;
	v6 =	vmul.f32 v6, v1  }
0x23a: {  	v7 =	vmul.f32 v7, v2;
	v10 =	vcvt.f32.s32 v10  }
0x23b: {  	vm0 =	vgt.f32 v12, $0.0e+00;
	vm1 =	vlt.f32 v8, $1.280000000e+02;
	v9 =	vshll.u32 v58, $0xE  }
0x23c: {  	v13 =	vshll.u32 v59, $0x7;
	vm0 =	vmand vm0, vm1;
	v8 =	vsub.f32 v11, v3  }
0x23d: {  	v60 =	vmin.f32 v6, v7;
	v61 =	vtrunc.f32 v6;
	v62 =	vtrunc.f32 v7  }
0x23e: {  	v6 =	vmax.f32 v6, v7;
	v9 =	vadd.s32 v9, v13;
	v8 =	vmul.f32 v8, v0  }
0x23f: {  	v7 =	vcvt.f32.s32 v61;
	v63 =	vcvt.f32.s32 v62;
	v9 =	vadd.s32 v10, v9  }
0x240: {  	v10 =	vmin.f32 v60, v8;
	v6 =	vmax.f32 v6, v8;
	v8 =	vtrunc.f32 v8  }
0x241: {  	v7 =	vshll.u32 v7, $0xE;
	v11 =	vshll.u32 v63, $0x7;
	v8 =	vcvt.f32.s32 v8  }
0x242: {  	vm14 =	vgt.f32 v10, $0.0e+00;
	vm2 =	vlt.f32 v6, $1.280000000e+02;
	v6 =	vadd.s32 v7, v11  }
0x243: {  	v7 =	vnsel vm0, $0x200000, v9;
	vm15 =	vmand vm14, vm2;
	v6 =	vadd.s32 v8, v6  }
0x244: {  	[tilespmem:s5+$0xC000] =	vst v7;
	v6 =	vnsel vm15, $0x200000, v6  }
0x245: {  	[tilespmem:s6+$0xC000] =	vst v6  }
0x246: {  	[tilespmem:s22], [sflag:$0x3] =	stream.indirect.gather [hbm4b:s12+s15], $0x1, s21, s15, $0xb8;
	[tilespmem:$0x1C400] =	vst v63  }
0x247: {  	_ =	swait.ge [sflag:s30], $0x2000  }
0x248: {  	[sflag:s30] =	ssyncset.done $0x0  }
0x249: {  	[sflag:s30] =	ssyncadd.s32 $0xFFFFE000  }
0x24a: {  	_ =	swait.ge [sflag:s3], $0x2000  }
0x24b: {  	[sflag:s3] =	ssyncset.done $0x0  }
0x24c: {  	[sflag:s3] =	ssyncadd.s32 $0xFFFFE000  }
0x24d: {  	_ =	swait.ge [sflag:s3], $0x2000  }
0x24e: {  	[sflag:s3] =	ssyncset.done $0x0  }
0x24f: {  	s5 =	simm.s32 $0x0;
	[sflag:s3] =	ssyncadd.s32 $0xFFFFE000  }
0x250: {  	v6 =	vld [tilespmem:s5+$0x12000]  }
0x251: {  	s6 =	simm.s32 $0x40  }
.LBB2_26:
0x252: {  	p0 =	sne.s32 s6, $0x7FC0  }
.Ltmp12:
0x253: {  	_ = 	snop;
	(pc) =	sbr.rel @p0 .LBB2_26-.Ltmp12, $4  }
0x254: {  	_ = 	snop  }
0x255: {  	s7 =	sshra.s32 s6, $0x2;
	s6 =	sadd.s32 $0x40, s6;
	v7 =	vand.u32 $0x7FFFFFFF, v6;
	v8 =	vshrl.u32 v6, $0x1F  }
0x256: {  	v6 =	vld [tilespmem:s7+$0x12000];
	[tilespmem:s5+$0x1A000] =	vst v8  }
0x257: {  	[tilespmem:s5+$0x16000] =	vst v7;
	s5 =	smov.u32 s7  }
0x258: {  	_ =	sdelay $0x2  }
0x259: {  	s6 =	sld [smem:$0x7FB];
	v7 =	vshrl.u32 v6, $0x1F  }
0x25a: {  	v6 =	vand.u32 $0x7FFFFFFF, v6;
	[tilespmem:s5+$0x1A000] =	vst v7  }
0x25b: {  	s7 =	simm.s32 $0x0;
	s8 =	sld [smem:$0x7FC];
	[tilespmem:s5+$0x16000] =	vst v6  }
0x25c: {  	[hbm4b:s6+s7] =	stream.linear.scatter [tilespmem:s31], [sflag:$0x6], $0x2000, $0x38;
	[tilespmem:$0x1C400] =	vst v63  }
0x25d: {  	_ = 	snop  }
0x25e: {  	[hbm4b:s8+s7] =	stream.linear.scatter [tilespmem:s0], [sflag:$0x6], $0x2000, $0x38;
	[tilespmem:$0x1C400] =	vst v63  }
0x25f: {  	_ =	swait.ge [sflag:s23], $0x2000  }
0x260: {  	[sflag:s23] =	ssyncset.done $0x0  }
0x261: {  	[sflag:s23] =	ssyncadd.s32 $0xFFFFE000  }
0x262: {  	_ =	swait.ge [sflag:s23], $0x2000  }
0x263: {  	[sflag:s23] =	ssyncset.done $0x0  }
0x264: {  	[sflag:s23] =	ssyncadd.s32 $0xFFFFE000  }
0x265: {  	_ =	swait.ge [sflag:s23], $0x2000  }
0x266: {  	[sflag:s23] =	ssyncset.done $0x0  }
0x267: {  	s7 =	simm.s32 $0x0;
	[sflag:s23] =	ssyncadd.s32 $0xFFFFE000  }
0x268: {  	v6 =	vld [tilespmem:s7+$0x6000]  }
0x269: {  	v7 =	vld [tilespmem:s7+$0x8000]  }
0x26a: {  	v8 =	vld [tilespmem:s7+$0xA000]  }
0x26b: {  	s5 =	simm.s32 $0x10  }
0x26c: {  	v10 =	vld [tilespmem:s5+$0x8000];
	_ =	sdelay $0x1  }
0x26d: {  	v6 =	vsub.f32 v6, v4;
	v7 =	vsub.f32 v7, v5  }
0x26e: {  	v8 =	vsub.f32 v8, v3  }
0x26f: {  	v6 =	vmul.f32 v6, v1;
	v7 =	vmul.f32 v7, v2  }
0x270: {  	v11 =	vsub.f32 v10, v5;
	v8 =	vmul.f32 v8, v0  }
0x271: {  	v12 =	vmin.f32 v6, v7;
	v13 =	vtrunc.f32 v6;
	v14 =	vtrunc.f32 v7  }
0x272: {  	v6 =	vmax.f32 v6, v7;
	v7 =	vcvt.f32.s32 v13;
	v62 =	vcvt.f32.s32 v14  }
0x273: {  	v9 =	vld [tilespmem:s5+$0x6000];
	v12 =	vmin.f32 v12, v8;
	v6 =	vmax.f32 v6, v8;
	v8 =	vtrunc.f32 v8  }
0x274: {  	s6 =	simm.s32 $0x20;
	v10 =	vld [tilespmem:s5+$0xA000];
	v8 =	vcvt.f32.s32 v8;
	v7 =	vshll.u32 v7, $0xE;
	v13 =	vshll.u32 v62, $0x7  }
0x275: {  	vm1 =	vlt.f32 v6, $1.280000000e+02;
	v6 =	vld [tilespmem:s6+$0x6000];
	v7 =	vadd.s32 v7, v13  }
0x276: {  	v63 =	vadd.s32 v8, v7;
	v7 =	vld [tilespmem:s6+$0x8000];
	_ =	sdelay $0x1  }
0x277: {  	v9 =	vsub.f32 v9, v4;
	vm0 =	vgt.f32 v12, $0.0e+00  }
0x278: {  	v10 =	vsub.f32 v10, v3;
	vm0 =	vmand vm0, vm1  }
0x279: {  	s8 =	simm.s32 $0xC0;
	v8 =	vmul.f32 v9, v1;
	v9 =	vmul.f32 v11, v2;
	v11 =	vnsel vm0, $0x200000, v63  }
.LBB2_28:
0x27a: {  	p0 =	sne.s32 s8, $0x7FC0;
	v12 =	vsub.f32 v6, v4;
	v13 =	vsub.f32 v7, v5;
	v10 =	vmul.f32 v10, v0;
	[tilespmem:s7+$0xE000] =	vst v11;
	s7 =	smov.u32 s5;
	s5 =	smov.u32 s6  }
0x27b: {  	s6 =	sshra.s32 s8, $0x2;
	v11 =	vld [tilespmem:s5+$0xA000];
	v14 =	vmin.f32 v8, v9;
	v7 =	vtrunc.f32 v8;
	v15 =	vtrunc.f32 v9  }
0x27c: {  	v8 =	vmax.f32 v8, v9;
	v6 =	vld [tilespmem:s6+$0x6000];
	v9 =	vcvt.f32.s32 v7;
	v15 =	vcvt.f32.s32 v15  }
.Ltmp13:
0x27d: {  	v14 =	vmin.f32 v14, v10;
	v8 =	vmax.f32 v8, v10;
	v10 =	vtrunc.f32 v10;
	v7 =	vld [tilespmem:s6+$0x8000];
	(pc) =	sbr.rel @p0 .LBB2_28-.Ltmp13, $4  }
0x27e: {  	v16 =	vcvt.f32.s32 v10;
	v9 =	vshll.u32 v9, $0xE;
	v10 =	vshll.u32 v15, $0x7  }
0x27f: {  	vm0 =	vgt.f32 v14, $0.0e+00;
	vm1 =	vlt.f32 v8, $1.280000000e+02;
	v8 =	vadd.s32 v9, v10  }
0x280: {  	vm0 =	vmand vm0, vm1;
	v10 =	vsub.f32 v11, v3;
	v11 =	vadd.s32 v16, v8  }
0x281: {  	s8 =	sadd.s32 $0x40, s8;
	v9 =	vmul.f32 v13, v2;
	v8 =	vmul.f32 v12, v1;
	v11 =	vnsel vm0, $0x200000, v11  }
0x282: {  	[tilespmem:s7+$0xE000] =	vst v11;
	v4 =	vsub.f32 v6, v4;
	v5 =	vsub.f32 v7, v5;
	v52 =	vmul.f32 v10, v0  }
0x283: {  	v53 =	vld [tilespmem:s6+$0xA000];
	v54 =	vmin.f32 v8, v9;
	v55 =	vtrunc.f32 v8;
	v12 =	vtrunc.f32 v9  }
0x284: {  	v56 =	vmax.f32 v8, v9;
	v57 =	vcvt.f32.s32 v55;
	v58 =	vcvt.f32.s32 v12  }
0x285: {  	v10 =	vmin.f32 v54, v52;
	v6 =	vtrunc.f32 v52;
	v1 =	vmul.f32 v4, v1  }
0x286: {  	v8 =	vmax.f32 v56, v52;
	v2 =	vmul.f32 v5, v2;
	v6 =	vcvt.f32.s32 v6  }
0x287: {  	vm0 =	vgt.f32 v10, $0.0e+00;
	vm1 =	vlt.f32 v8, $1.280000000e+02;
	v9 =	vshll.u32 v57, $0xE  }
0x288: {  	v11 =	vshll.u32 v58, $0x7;
	vm0 =	vmand vm0, vm1;
	v3 =	vsub.f32 v53, v3  }
0x289: {  	v61 =	vtrunc.f32 v1;
	v62 =	vtrunc.f32 v2;
	v59 =	vadd.s32 v9, v11  }
0x28a: {  	v63 =	vcvt.f32.s32 v62;
	v60 =	vadd.s32 v6, v59;
	v0 =	vmul.f32 v3, v0  }
0x28b: {  	v3 =	vmin.f32 v1, v2;
	v1 =	vmax.f32 v1, v2;
	v2 =	vcvt.f32.s32 v61  }
0x28c: {  	v3 =	vmin.f32 v3, v0;
	v1 =	vmax.f32 v1, v0;
	v0 =	vtrunc.f32 v0  }
0x28d: {  	v5 =	vshll.u32 v63, $0x7;
	v2 =	vshll.u32 v2, $0xE;
	v0 =	vcvt.f32.s32 v0  }
0x28e: {  	vm14 =	vgt.f32 v3, $0.0e+00;
	vm2 =	vlt.f32 v1, $1.280000000e+02;
	v1 =	vadd.s32 v2, v5  }
0x28f: {  	v2 =	vnsel vm0, $0x200000, v60;
	vm15 =	vmand vm14, vm2;
	v0 =	vadd.s32 v0, v1  }
0x290: {  	[tilespmem:s5+$0xE000] =	vst v2;
	v0 =	vnsel vm15, $0x200000, v0  }
0x291: {  	[tilespmem:s6+$0xE000] =	vst v0  }
0x292: {  	[tilespmem:s25], [sflag:$0x4] =	stream.indirect.gather [hbm4b:s12+s15], $0x1, s24, s15, $0xb8;
	[tilespmem:$0x1C400] =	vst v63  }
0x293: {  	_ =	swait.ge [sflag:s26], $0x2000  }
0x294: {  	[sflag:s26] =	ssyncset.done $0x0  }
0x295: {  	[sflag:s26] =	ssyncadd.s32 $0xFFFFE000  }
0x296: {  	_ =	swait.ge [sflag:s2], $0x2000  }
0x297: {  	[sflag:s2] =	ssyncset.done $0x0  }
0x298: {  	[sflag:s2] =	ssyncadd.s32 $0xFFFFE000  }
0x299: {  	_ =	swait.ge [sflag:s2], $0x2000  }
0x29a: {  	[sflag:s2] =	ssyncset.done $0x0  }
0x29b: {  	s5 =	simm.s32 $0x0;
	[sflag:s2] =	ssyncadd.s32 $0xFFFFE000  }
0x29c: {  	v0 =	vld [tilespmem:s5+$0x10000]  }
0x29d: {  	s6 =	simm.s32 $0x40  }
.LBB2_30:
0x29e: {  	p0 =	sne.s32 s6, $0x7FC0  }
.Ltmp14:
0x29f: {  	_ = 	snop;
	(pc) =	sbr.rel @p0 .LBB2_30-.Ltmp14, $4  }
0x2a0: {  	_ = 	snop  }
0x2a1: {  	s7 =	sshra.s32 s6, $0x2;
	s6 =	sadd.s32 $0x40, s6;
	v1 =	vand.u32 $0x7FFFFFFF, v0;
	v2 =	vshrl.u32 v0, $0x1F  }
0x2a2: {  	v0 =	vld [tilespmem:s7+$0x10000];
	[tilespmem:s5+$0x18000] =	vst v2  }
0x2a3: {  	[tilespmem:s5+$0x14000] =	vst v1;
	s5 =	smov.u32 s7  }
0x2a4: {  	_ =	sdelay $0x2  }
0x2a5: {  	s6 =	sld [smem:$0x7FD];
	v1 =	vshrl.u32 v0, $0x1F  }
0x2a6: {  	v0 =	vand.u32 $0x7FFFFFFF, v0;
	[tilespmem:s5+$0x18000] =	vst v1  }
0x2a7: {  	s8 =	simm.s32 $0x0;
	[tilespmem:s5+$0x14000] =	vst v0  }
0x2a8: {  	[hbm4b:s6+s8] =	stream.linear.scatter [tilespmem:s28], [sflag:$0x5], $0x2000, $0x38;
	[tilespmem:$0x1C400] =	vst v63  }
0x2a9: {  	_ = 	snop  }
0x2aa: {  	[hbm4b:s9+s8] =	stream.linear.scatter [tilespmem:s29], [sflag:$0x5], $0x2000, $0x38;
	[tilespmem:$0x1C400] =	vst v63  }
0x2ab: {  	_ =	swait.ge [sflag:s30], $0x2000  }
0x2ac: {  	[sflag:s30] =	ssyncset.done $0x0  }
0x2ad: {  	[sflag:s30] =	ssyncadd.s32 $0xFFFFE000  }
0x2ae: {  	_ =	swait.ge [sflag:s3], $0x2000  }
0x2af: {  	[sflag:s3] =	ssyncset.done $0x0  }
0x2b0: {  	[sflag:s3] =	ssyncadd.s32 $0xFFFFE000  }
0x2b1: {  	_ =	swait.ge [sflag:s3], $0x2000  }
0x2b2: {  	[sflag:s3] =	ssyncset.done $0x0  }
0x2b3: {  	s5 =	simm.s32 $0x0;
	[sflag:s3] =	ssyncadd.s32 $0xFFFFE000  }
0x2b4: {  	v0 =	vld [tilespmem:s5+$0x12000]  }
0x2b5: {  	s6 =	simm.s32 $0x40  }
.LBB2_32:
0x2b6: {  	p0 =	sne.s32 s6, $0x7FC0  }
.Ltmp15:
0x2b7: {  	_ = 	snop;
	(pc) =	sbr.rel @p0 .LBB2_32-.Ltmp15, $4  }
0x2b8: {  	_ = 	snop  }
0x2b9: {  	s7 =	sshra.s32 s6, $0x2;
	s6 =	sadd.s32 $0x40, s6;
	v1 =	vand.u32 $0x7FFFFFFF, v0;
	v2 =	vshrl.u32 v0, $0x1F  }
0x2ba: {  	v0 =	vld [tilespmem:s7+$0x12000];
	[tilespmem:s5+$0x1A000] =	vst v2  }
0x2bb: {  	[tilespmem:s5+$0x16000] =	vst v1;
	s5 =	smov.u32 s7  }
0x2bc: {  	_ =	sdelay $0x2  }
0x2bd: {  	v1 =	vshrl.u32 v0, $0x1F  }
0x2be: {  	v63 =	vand.u32 $0x7FFFFFFF, v0;
	[tilespmem:s5+$0x1A000] =	vst v1  }
0x2bf: {  	[tilespmem:s5+$0x16000] =	vst v63  }
0x2c0: {  	[hbm4b:s10+s1] =	stream.linear.scatter [tilespmem:s31], [sflag:$0x6], $0x2000, $0x38;
	[tilespmem:$0x1C400] =	vst v63  }
0x2c1: {  	_ = 	snop  }
0x2c2: {  	[hbm4b:s11+s1] =	stream.linear.scatter [tilespmem:s0], [sflag:$0x6], $0x2000, $0x38;
	[tilespmem:$0x1C400] =	vst v63  }
0x2c3: {  	_ =	swait.ge [sflag:s2], $0x2000  }
0x2c4: {  	[sflag:s2] =	ssyncset.done $0x0  }
0x2c5: {  	[sflag:s2] =	ssyncadd.s32 $0xFFFFE000  }
0x2c6: {  	_ =	swait.ge [sflag:s2], $0x2000  }
0x2c7: {  	[sflag:s2] =	ssyncset.done $0x0  }
0x2c8: {  	s4 =	sadd.s32 $0x1, s4;
	[sflag:s2] =	ssyncadd.s32 $0xFFFFE000  }
0x2c9: {  	p0 =	sne.s32 s4, s13;
	_ =	swait.ge [sflag:s3], $0x2000  }
.Ltmp16:
0x2ca: {  	[sflag:s3] =	ssyncset.done $0x0;
	(pc) =	sbr.rel @p0 .LBB2_1-.Ltmp16, $4  }
0x2cb: {  	[sflag:s3] =	ssyncadd.s32 $0xFFFFE000  }
0x2cc: {  	_ =	swait.ge [sflag:s3], $0x2000  }
0x2cd: {  	[sflag:s3] =	ssyncset.done $0x0  }
0x2ce: {  	[sflag:s3] =	ssyncadd.s32 $0xFFFFE000  }
0x2cf: {  	_ =	sfence.sel $0x180000  }
0x2d0: {  	[bflag:$0x0] =	sbarrier.arrive $0xFFFF  }
0x2d1: {  	_ =	strace $0x90000047  }
0x2d2: {  	s0 =	stileid.u32;
	[bflag:$0x2] =	sbarrier.arrive $0xFFFF  }
0x2d3: {  	p0 =	sne.s32 s0, $0x0;
	s0 =	rddreg [dreg:$0x3]  }
0x2d4: {  	s0 =	sadd.s32 @!p0 $0x100000, s0  }
0x2d5: {  	[sflag:s0] =	ssyncadd.tile.s32 @!p0 $0x1;
	_ =	shalt  }
.Lfunc_end2:
_tile_overlayer_lowered:
.L_overlay_start_2:
0x2d6: {  	(tag) =	ssettag $0x2  }
0x2d7: {  	s0 =	rddreg [dreg:$0x0];
	s2 =	stileid.u32  }
0x2d8: {  	s1 =	rddreg [dreg:$0x1];
	p0 =	sne.s32 s2, $0x0  }
0x2d9: {  	s3 =	rddreg [dreg:$0x2];
	[bflag:$0x3] =	sbarrier.arrive $0xFFFF;
	s2 =	simm.s32 @!p0 $0x1C07  }
0x2da: {  	[timem:s3], [sflag:s2] =	dma.local @!p0 [hbm:s0], s1  }
0x2db: {  	s0 =	simm.s32 @!p0 $0x7  }
0x2dc: {  	_ =	swait.ge @!p0 [sflag:s0], s1  }
0x2dd: {  	s1 =	ssub.s32 @!p0 $0x0, s1;
	[sflag:s0] =	ssyncset.done @!p0 $0x0  }
0x2de: {  	[sflag:s0] =	ssyncadd.s32 @!p0 s1  }
0x2df: {  	[bflag:$0x3] =	sbarrier.arrive $0xFFFF  }
0x2e0: {  	_ =	shalt  }

</sc_bundles>
